<compile_context>
chip_gen: v7x
topology: tpu7x:2x2x1
jax: 0.10.2.dev20260603
libtpu: 0.0.44.dev20260713+nightly
codegen_flags: <defaults>
</compile_context>

<pallas_src>
import jax
import jax.numpy as jnp
from jax import lax
from jax.experimental import pallas as pl
from jax.experimental.pallas import tpu as pltpu, tpu_sc as plsc

_INPUT = 224
_NSEL = 7
_GRID0 = 16
_GSTEP = 32
_B, _C = 32, 16
_NIMG = _B * _C

_NW = 32
_IPW = _NIMG // _NW
_OPW = _IPW * _NSEL * _NSEL
_L = 16
_MAGIC49, _MAGIC7, _SHIFT = 5350, 37450, 18

_mesh = plsc.VectorSubcoreMesh(core_axis_name="c", subcore_axis_name="s")


def _select_center(x4d):
    @pl.kernel(
        out_type=jax.ShapeDtypeStruct((_NIMG * _NSEL * _NSEL,), jnp.float32),
        mesh=_mesh,
        compiler_params=pltpu.CompilerParams(needs_layout_passes=False),
        scratch_types=[
            pltpu.VMEM((_IPW, _NSEL, 1, _INPUT), jnp.float32),
            pltpu.VMEM((_OPW,), jnp.float32),
            pltpu.SemaphoreType.DMA,
        ],
    )
    def body(x_hbm, out_hbm, rows_v, out_v, sem):
        wid = lax.axis_index("s") * 2 + lax.axis_index("c")
        img0 = wid * _IPW
        cp = pltpu.async_copy(
            x_hbm.at[pl.ds(img0, _IPW), :, pl.ds(_GRID0, 1), :],
            rows_v,
            sem,
        )
        lane = lax.iota(jnp.int32, _L)
        zero = lane - lane
        cp.wait()
        for k in range(_OPW // _L):
            e = lane + (_L * k)
            img = lax.shift_right_logical(e * _MAGIC49, _SHIFT)
            rem = e - 49 * img
            i = lax.shift_right_logical(rem * _MAGIC7, _SHIFT)
            ci = _GRID0 + _GSTEP * (rem - _NSEL * i)
            out_v[pl.ds(_L * k, _L)] = plsc.load_gather(
                rows_v, [img, i, zero, ci])
        pltpu.sync_copy(out_v, out_hbm.at[pl.ds(wid * _OPW, _OPW)])

    return body(x4d)


def kernel(_input):
    x4d = _input.reshape(_NIMG, _NSEL, _GSTEP, _INPUT)
    flat = _select_center(x4d)
    return flat.reshape(_B, _C, _NSEL, _NSEL)

# --- scband reference (transcript-rebuilt; emitter-appended) ---
"""Pipeline reference for scband-select-center-33638183862689 (READ-ONLY COPY).

The authoritative reference and input builder live on the scoring server;
editing this copy changes nothing except your own understanding.
"""

import jax, jax.numpy as jnp
import numpy as np

INPUT_SIZE = 224
LSTM_NUM_SQUARE = 7

def _grid_select():
    grid_len = INPUT_SIZE // LSTM_NUM_SQUARE
    return jnp.arange(grid_len // 2, INPUT_SIZE, grid_len, dtype=jnp.int32)

def setup_inputs(seed: int = 0) -> dict:
    key = jax.random.key(seed)
    x = jax.random.normal(key, (32, 16, INPUT_SIZE, INPUT_SIZE), dtype=jnp.float32)
    return {"_input": x}

def reference(_input):
    grid = _grid_select()
    out = jnp.take(_input, grid, axis=-1)
    out = jnp.take(out, grid, axis=-2)
    return out

if __name__ == "__main__":
    import jax
    _d = setup_inputs()
    print(jax.jit(kernel)(*tuple(_d.values())))

</pallas_src>

<mosaic_0001>
#map = affine_map<(d0, d1) -> (0, 0, 0, 0)>
#map1 = affine_map<(d0, d1) -> (0)>
module attributes {stable_mosaic.version = 14 : i64} {
  func.func @body(%arg0: i32, %arg1: i32, %arg2: memref<512x7x32x224xf32, #tpu.memory_space<hbm>>, %arg3: memref<25088xf32, #tpu.memory_space<hbm>>, %arg4: memref<16x7x1x224xf32, #tpu.memory_space<vmem>>, %arg5: memref<784xf32, #tpu.memory_space<vmem>>, %arg6: memref<!tpu.dma_semaphore, #tpu.memory_space<semaphore_mem>>) attributes {dimension_semantics = [#tpu.dimension_semantics<core_parallel>, #tpu.dimension_semantics<subcore_parallel>], iteration_bounds = array<i64: 2, 16>, scalar_prefetch = 0 : i64, scratch_operands = 3 : i64, tpu.core_type = #tpu.core_type<sc_vector_subcore>, window_params = [{transform_indices = #map}, {transform_indices = #map1}]} {
    %mul3A = arith.constant 2 : i32
    %mul3A_0 = arith.muli %arg1, %mul3A : i32
    %add3A = arith.addi %mul3A_0, %arg0 : i32
    %mul3A_1 = arith.constant 16 : i32
    %mul3A_2 = arith.muli %add3A, %mul3A_1 : i32
    %dma_start3A = arith.constant 0 : i32
    %dma_start3A_3 = arith.constant 16 : i32
    %dma_start3A_4 = arith.constant 0 : i32
    %dma_start3A_5 = tpu.memref_slice %arg2[%mul3A_2, %dma_start3A, %dma_start3A_3, %dma_start3A_4] : memref<512x7x32x224xf32, #tpu.memory_space<hbm>> -> memref<16x7x1x224xf32, #tpu.memory_space<hbm>>
    %dma_start3A_6 = arith.constant 0 : i32
    %dma_start3A_7 = arith.constant 16 : i32
    %dma_start3A_8 = arith.constant 0 : i32
    %dma_start3A_9 = tpu.memref_slice %arg2[%mul3A_2, %dma_start3A_6, %dma_start3A_7, %dma_start3A_8] : memref<512x7x32x224xf32, #tpu.memory_space<hbm>> -> memref<16x7x1x224xf32, #tpu.memory_space<hbm>>
    tpu.enqueue_dma source(%dma_start3A_9 : memref<16x7x1x224xf32, #tpu.memory_space<hbm>>) target(%arg4 : memref<16x7x1x224xf32, #tpu.memory_space<vmem>>) target_semaphore(%arg6 : memref<!tpu.dma_semaphore, #tpu.memory_space<semaphore_mem>>)
    %iota3A = tpu.iota {dimensions = array<i32: 0>} : vector<16xi32>
    %sub3A = arith.subi %iota3A, %iota3A : vector<16xi32>
    %dma_wait3A = arith.constant 0 : i32
    %dma_wait3A_10 = arith.constant 16 : i32
    %dma_wait3A_11 = arith.constant 0 : i32
    %dma_wait3A_12 = tpu.memref_slice %arg2[%mul3A_2, %dma_wait3A, %dma_wait3A_10, %dma_wait3A_11] : memref<512x7x32x224xf32, #tpu.memory_space<hbm>> -> memref<16x7x1x224xf32, #tpu.memory_space<hbm>>
    %dma_wait3A_13 = arith.constant 0 : i32
    %dma_wait3A_14 = arith.constant 16 : i32
    %dma_wait3A_15 = arith.constant 0 : i32
    %dma_wait3A_16 = tpu.memref_slice %arg2[%mul3A_2, %dma_wait3A_13, %dma_wait3A_14, %dma_wait3A_15] : memref<512x7x32x224xf32, #tpu.memory_space<hbm>> -> memref<16x7x1x224xf32, #tpu.memory_space<hbm>>
    tpu.wait_dma2 semaphore(%arg6 : memref<!tpu.dma_semaphore, #tpu.memory_space<semaphore_mem>>) src(%dma_wait3A_16 : memref<16x7x1x224xf32, #tpu.memory_space<hbm>>) dst(%arg4 : memref<16x7x1x224xf32, #tpu.memory_space<vmem>>)
    %add3A_17 = arith.constant 0 : i32
    %add3A_18 = vector.broadcast %add3A_17 : i32 to vector<16xi32>
    %add3A_19 = arith.addi %iota3A, %add3A_18 : vector<16xi32>
    %mul3A_20 = arith.constant 5350 : i32
    %mul3A_21 = vector.broadcast %mul3A_20 : i32 to vector<16xi32>
    %mul3A_22 = arith.muli %add3A_19, %mul3A_21 : vector<16xi32>
    %shift_right_logical3A = arith.constant 18 : i32
    %shift_right_logical3A_23 = vector.broadcast %shift_right_logical3A : i32 to vector<16xi32>
    %shift_right_logical3A_24 = arith.shrui %mul3A_22, %shift_right_logical3A_23 : vector<16xi32>
    %mul3A_25 = arith.constant 49 : i32
    %mul3A_26 = vector.broadcast %mul3A_25 : i32 to vector<16xi32>
    %mul3A_27 = arith.muli %mul3A_26, %shift_right_logical3A_24 : vector<16xi32>
    %sub3A_28 = arith.subi %add3A_19, %mul3A_27 : vector<16xi32>
    %mul3A_29 = arith.constant 37450 : i32
    %mul3A_30 = vector.broadcast %mul3A_29 : i32 to vector<16xi32>
    %mul3A_31 = arith.muli %sub3A_28, %mul3A_30 : vector<16xi32>
    %shift_right_logical3A_32 = arith.constant 18 : i32
    %shift_right_logical3A_33 = vector.broadcast %shift_right_logical3A_32 : i32 to vector<16xi32>
    %shift_right_logical3A_34 = arith.shrui %mul3A_31, %shift_right_logical3A_33 : vector<16xi32>
    %mul3A_35 = arith.constant 7 : i32
    %mul3A_36 = vector.broadcast %mul3A_35 : i32 to vector<16xi32>
    %mul3A_37 = arith.muli %mul3A_36, %shift_right_logical3A_34 : vector<16xi32>
    %sub3A_38 = arith.subi %sub3A_28, %mul3A_37 : vector<16xi32>
    %mul3A_39 = arith.constant 32 : i32
    %mul3A_40 = vector.broadcast %mul3A_39 : i32 to vector<16xi32>
    %mul3A_41 = arith.muli %mul3A_40, %sub3A_38 : vector<16xi32>
    %add3A_42 = arith.constant 16 : i32
    %add3A_43 = vector.broadcast %add3A_42 : i32 to vector<16xi32>
    %add3A_44 = arith.addi %add3A_43, %mul3A_41 : vector<16xi32>
    %gather3A = tpu.vector_load_idx %arg4[%shift_right_logical3A_24, %shift_right_logical3A_34, %sub3A, %add3A_44] : memref<16x7x1x224xf32, #tpu.memory_space<vmem>>[vector<16xi32>, vector<16xi32>, vector<16xi32>, vector<16xi32>], vector<16xf32>,
    %swap3A = arith.constant 0 : index
    %swap3A_45 = tpu.vector_load %arg5[%swap3A] {strides = array<i32>} : memref<784xf32, #tpu.memory_space<vmem>>, vector<16xf32>,
    tpu.vector_store %arg5[%swap3A], %gather3A {strides = array<i32>} : memref<784xf32, #tpu.memory_space<vmem>>, vector<16xf32>,
    %add3A_46 = arith.constant 16 : i32
    %add3A_47 = vector.broadcast %add3A_46 : i32 to vector<16xi32>
    %add3A_48 = arith.addi %iota3A, %add3A_47 : vector<16xi32>
    %mul3A_49 = arith.constant 5350 : i32
    %mul3A_50 = vector.broadcast %mul3A_49 : i32 to vector<16xi32>
    %mul3A_51 = arith.muli %add3A_48, %mul3A_50 : vector<16xi32>
    %shift_right_logical3A_52 = arith.constant 18 : i32
    %shift_right_logical3A_53 = vector.broadcast %shift_right_logical3A_52 : i32 to vector<16xi32>
    %shift_right_logical3A_54 = arith.shrui %mul3A_51, %shift_right_logical3A_53 : vector<16xi32>
    %mul3A_55 = arith.constant 49 : i32
    %mul3A_56 = vector.broadcast %mul3A_55 : i32 to vector<16xi32>
    %mul3A_57 = arith.muli %mul3A_56, %shift_right_logical3A_54 : vector<16xi32>
    %sub3A_58 = arith.subi %add3A_48, %mul3A_57 : vector<16xi32>
    %mul3A_59 = arith.constant 37450 : i32
    %mul3A_60 = vector.broadcast %mul3A_59 : i32 to vector<16xi32>
    %mul3A_61 = arith.muli %sub3A_58, %mul3A_60 : vector<16xi32>
    %shift_right_logical3A_62 = arith.constant 18 : i32
    %shift_right_logical3A_63 = vector.broadcast %shift_right_logical3A_62 : i32 to vector<16xi32>
    %shift_right_logical3A_64 = arith.shrui %mul3A_61, %shift_right_logical3A_63 : vector<16xi32>
    %mul3A_65 = arith.constant 7 : i32
    %mul3A_66 = vector.broadcast %mul3A_65 : i32 to vector<16xi32>
    %mul3A_67 = arith.muli %mul3A_66, %shift_right_logical3A_64 : vector<16xi32>
    %sub3A_68 = arith.subi %sub3A_58, %mul3A_67 : vector<16xi32>
    %mul3A_69 = arith.constant 32 : i32
    %mul3A_70 = vector.broadcast %mul3A_69 : i32 to vector<16xi32>
    %mul3A_71 = arith.muli %mul3A_70, %sub3A_68 : vector<16xi32>
    %add3A_72 = arith.constant 16 : i32
    %add3A_73 = vector.broadcast %add3A_72 : i32 to vector<16xi32>
    %add3A_74 = arith.addi %add3A_73, %mul3A_71 : vector<16xi32>
    %gather3A_75 = tpu.vector_load_idx %arg4[%shift_right_logical3A_54, %shift_right_logical3A_64, %sub3A, %add3A_74] : memref<16x7x1x224xf32, #tpu.memory_space<vmem>>[vector<16xi32>, vector<16xi32>, vector<16xi32>, vector<16xi32>], vector<16xf32>,
    %swap3A_76 = arith.constant 16 : index
    %swap3A_77 = tpu.vector_load %arg5[%swap3A_76] {strides = array<i32>} : memref<784xf32, #tpu.memory_space<vmem>>, vector<16xf32>,
    tpu.vector_store %arg5[%swap3A_76], %gather3A_75 {strides = array<i32>} : memref<784xf32, #tpu.memory_space<vmem>>, vector<16xf32>,
    %add3A_78 = arith.constant 32 : i32
    %add3A_79 = vector.broadcast %add3A_78 : i32 to vector<16xi32>
    %add3A_80 = arith.addi %iota3A, %add3A_79 : vector<16xi32>
    %mul3A_81 = arith.constant 5350 : i32
    %mul3A_82 = vector.broadcast %mul3A_81 : i32 to vector<16xi32>
    %mul3A_83 = arith.muli %add3A_80, %mul3A_82 : vector<16xi32>
    %shift_right_logical3A_84 = arith.constant 18 : i32
    %shift_right_logical3A_85 = vector.broadcast %shift_right_logical3A_84 : i32 to vector<16xi32>
    %shift_right_logical3A_86 = arith.shrui %mul3A_83, %shift_right_logical3A_85 : vector<16xi32>
    %mul3A_87 = arith.constant 49 : i32
    %mul3A_88 = vector.broadcast %mul3A_87 : i32 to vector<16xi32>
    %mul3A_89 = arith.muli %mul3A_88, %shift_right_logical3A_86 : vector<16xi32>
    %sub3A_90 = arith.subi %add3A_80, %mul3A_89 : vector<16xi32>
    %mul3A_91 = arith.constant 37450 : i32
    %mul3A_92 = vector.broadcast %mul3A_91 : i32 to vector<16xi32>
    %mul3A_93 = arith.muli %sub3A_90, %mul3A_92 : vector<16xi32>
    %shift_right_logical3A_94 = arith.constant 18 : i32
    %shift_right_logical3A_95 = vector.broadcast %shift_right_logical3A_94 : i32 to vector<16xi32>
    %shift_right_logical3A_96 = arith.shrui %mul3A_93, %shift_right_logical3A_95 : vector<16xi32>
    %mul3A_97 = arith.constant 7 : i32
    %mul3A_98 = vector.broadcast %mul3A_97 : i32 to vector<16xi32>
    %mul3A_99 = arith.muli %mul3A_98, %shift_right_logical3A_96 : vector<16xi32>
    %sub3A_100 = arith.subi %sub3A_90, %mul3A_99 : vector<16xi32>
    %mul3A_101 = arith.constant 32 : i32
    %mul3A_102 = vector.broadcast %mul3A_101 : i32 to vector<16xi32>
    %mul3A_103 = arith.muli %mul3A_102, %sub3A_100 : vector<16xi32>
    %add3A_104 = arith.constant 16 : i32
    %add3A_105 = vector.broadcast %add3A_104 : i32 to vector<16xi32>
    %add3A_106 = arith.addi %add3A_105, %mul3A_103 : vector<16xi32>
    %gather3A_107 = tpu.vector_load_idx %arg4[%shift_right_logical3A_86, %shift_right_logical3A_96, %sub3A, %add3A_106] : memref<16x7x1x224xf32, #tpu.memory_space<vmem>>[vector<16xi32>, vector<16xi32>, vector<16xi32>, vector<16xi32>], vector<16xf32>,
    %swap3A_108 = arith.constant 32 : index
    %swap3A_109 = tpu.vector_load %arg5[%swap3A_108] {strides = array<i32>} : memref<784xf32, #tpu.memory_space<vmem>>, vector<16xf32>,
    tpu.vector_store %arg5[%swap3A_108], %gather3A_107 {strides = array<i32>} : memref<784xf32, #tpu.memory_space<vmem>>, vector<16xf32>,
    %add3A_110 = arith.constant 48 : i32
    %add3A_111 = vector.broadcast %add3A_110 : i32 to vector<16xi32>
    %add3A_112 = arith.addi %iota3A, %add3A_111 : vector<16xi32>
    %mul3A_113 = arith.constant 5350 : i32
    %mul3A_114 = vector.broadcast %mul3A_113 : i32 to vector<16xi32>
    %mul3A_115 = arith.muli %add3A_112, %mul3A_114 : vector<16xi32>
    %shift_right_logical3A_116 = arith.constant 18 : i32
    %shift_right_logical3A_117 = vector.broadcast %shift_right_logical3A_116 : i32 to vector<16xi32>
    %shift_right_logical3A_118 = arith.shrui %mul3A_115, %shift_right_logical3A_117 : vector<16xi32>
    %mul3A_119 = arith.constant 49 : i32
    %mul3A_120 = vector.broadcast %mul3A_119 : i32 to vector<16xi32>
    %mul3A_121 = arith.muli %mul3A_120, %shift_right_logical3A_118 : vector<16xi32>
    %sub3A_122 = arith.subi %add3A_112, %mul3A_121 : vector<16xi32>
    %mul3A_123 = arith.constant 37450 : i32
    %mul3A_124 = vector.broadcast %mul3A_123 : i32 to vector<16xi32>
    %mul3A_125 = arith.muli %sub3A_122, %mul3A_124 : vector<16xi32>
    %shift_right_logical3A_126 = arith.constant 18 : i32
    %shift_right_logical3A_127 = vector.broadcast %shift_right_logical3A_126 : i32 to vector<16xi32>
    %shift_right_logical3A_128 = arith.shrui %mul3A_125, %shift_right_logical3A_127 : vector<16xi32>
    %mul3A_129 = arith.constant 7 : i32
    %mul3A_130 = vector.broadcast %mul3A_129 : i32 to vector<16xi32>
    %mul3A_131 = arith.muli %mul3A_130, %shift_right_logical3A_128 : vector<16xi32>
    %sub3A_132 = arith.subi %sub3A_122, %mul3A_131 : vector<16xi32>
    %mul3A_133 = arith.constant 32 : i32
    %mul3A_134 = vector.broadcast %mul3A_133 : i32 to vector<16xi32>
    %mul3A_135 = arith.muli %mul3A_134, %sub3A_132 : vector<16xi32>
    %add3A_136 = arith.constant 16 : i32
    %add3A_137 = vector.broadcast %add3A_136 : i32 to vector<16xi32>
    %add3A_138 = arith.addi %add3A_137, %mul3A_135 : vector<16xi32>
    %gather3A_139 = tpu.vector_load_idx %arg4[%shift_right_logical3A_118, %shift_right_logical3A_128, %sub3A, %add3A_138] : memref<16x7x1x224xf32, #tpu.memory_space<vmem>>[vector<16xi32>, vector<16xi32>, vector<16xi32>, vector<16xi32>], vector<16xf32>,
    %swap3A_140 = arith.constant 48 : index
    %swap3A_141 = tpu.vector_load %arg5[%swap3A_140] {strides = array<i32>} : memref<784xf32, #tpu.memory_space<vmem>>, vector<16xf32>,
    tpu.vector_store %arg5[%swap3A_140], %gather3A_139 {strides = array<i32>} : memref<784xf32, #tpu.memory_space<vmem>>, vector<16xf32>,
    %add3A_142 = arith.constant 64 : i32
    %add3A_143 = vector.broadcast %add3A_142 : i32 to vector<16xi32>
    %add3A_144 = arith.addi %iota3A, %add3A_143 : vector<16xi32>
    %mul3A_145 = arith.constant 5350 : i32
    %mul3A_146 = vector.broadcast %mul3A_145 : i32 to vector<16xi32>
    %mul3A_147 = arith.muli %add3A_144, %mul3A_146 : vector<16xi32>
    %shift_right_logical3A_148 = arith.constant 18 : i32
    %shift_right_logical3A_149 = vector.broadcast %shift_right_logical3A_148 : i32 to vector<16xi32>
    %shift_right_logical3A_150 = arith.shrui %mul3A_147, %shift_right_logical3A_149 : vector<16xi32>
    %mul3A_151 = arith.constant 49 : i32
    %mul3A_152 = vector.broadcast %mul3A_151 : i32 to vector<16xi32>
    %mul3A_153 = arith.muli %mul3A_152, %shift_right_logical3A_150 : vector<16xi32>
    %sub3A_154 = arith.subi %add3A_144, %mul3A_153 : vector<16xi32>
    %mul3A_155 = arith.constant 37450 : i32
    %mul3A_156 = vector.broadcast %mul3A_155 : i32 to vector<16xi32>
    %mul3A_157 = arith.muli %sub3A_154, %mul3A_156 : vector<16xi32>
    %shift_right_logical3A_158 = arith.constant 18 : i32
    %shift_right_logical3A_159 = vector.broadcast %shift_right_logical3A_158 : i32 to vector<16xi32>
    %shift_right_logical3A_160 = arith.shrui %mul3A_157, %shift_right_logical3A_159 : vector<16xi32>
    %mul3A_161 = arith.constant 7 : i32
    %mul3A_162 = vector.broadcast %mul3A_161 : i32 to vector<16xi32>
    %mul3A_163 = arith.muli %mul3A_162, %shift_right_logical3A_160 : vector<16xi32>
    %sub3A_164 = arith.subi %sub3A_154, %mul3A_163 : vector<16xi32>
    %mul3A_165 = arith.constant 32 : i32
    %mul3A_166 = vector.broadcast %mul3A_165 : i32 to vector<16xi32>
    %mul3A_167 = arith.muli %mul3A_166, %sub3A_164 : vector<16xi32>
    %add3A_168 = arith.constant 16 : i32
    %add3A_169 = vector.broadcast %add3A_168 : i32 to vector<16xi32>
    %add3A_170 = arith.addi %add3A_169, %mul3A_167 : vector<16xi32>
    %gather3A_171 = tpu.vector_load_idx %arg4[%shift_right_logical3A_150, %shift_right_logical3A_160, %sub3A, %add3A_170] : memref<16x7x1x224xf32, #tpu.memory_space<vmem>>[vector<16xi32>, vector<16xi32>, vector<16xi32>, vector<16xi32>], vector<16xf32>,
    %swap3A_172 = arith.constant 64 : index
    %swap3A_173 = tpu.vector_load %arg5[%swap3A_172] {strides = array<i32>} : memref<784xf32, #tpu.memory_space<vmem>>, vector<16xf32>,
    tpu.vector_store %arg5[%swap3A_172], %gather3A_171 {strides = array<i32>} : memref<784xf32, #tpu.memory_space<vmem>>, vector<16xf32>,
    %add3A_174 = arith.constant 80 : i32
    %add3A_175 = vector.broadcast %add3A_174 : i32 to vector<16xi32>
    %add3A_176 = arith.addi %iota3A, %add3A_175 : vector<16xi32>
    %mul3A_177 = arith.constant 5350 : i32
    %mul3A_178 = vector.broadcast %mul3A_177 : i32 to vector<16xi32>
    %mul3A_179 = arith.muli %add3A_176, %mul3A_178 : vector<16xi32>
    %shift_right_logical3A_180 = arith.constant 18 : i32
    %shift_right_logical3A_181 = vector.broadcast %shift_right_logical3A_180 : i32 to vector<16xi32>
    %shift_right_logical3A_182 = arith.shrui %mul3A_179, %shift_right_logical3A_181 : vector<16xi32>
    %mul3A_183 = arith.constant 49 : i32
    %mul3A_184 = vector.broadcast %mul3A_183 : i32 to vector<16xi32>
    %mul3A_185 = arith.muli %mul3A_184, %shift_right_logical3A_182 : vector<16xi32>
    %sub3A_186 = arith.subi %add3A_176, %mul3A_185 : vector<16xi32>
    %mul3A_187 = arith.constant 37450 : i32
    %mul3A_188 = vector.broadcast %mul3A_187 : i32 to vector<16xi32>
    %mul3A_189 = arith.muli %sub3A_186, %mul3A_188 : vector<16xi32>
    %shift_right_logical3A_190 = arith.constant 18 : i32
    %shift_right_logical3A_191 = vector.broadcast %shift_right_logical3A_190 : i32 to vector<16xi32>
    %shift_right_logical3A_192 = arith.shrui %mul3A_189, %shift_right_logical3A_191 : vector<16xi32>
    %mul3A_193 = arith.constant 7 : i32
    %mul3A_194 = vector.broadcast %mul3A_193 : i32 to vector<16xi32>
    %mul3A_195 = arith.muli %mul3A_194, %shift_right_logical3A_192 : vector<16xi32>
    %sub3A_196 = arith.subi %sub3A_186, %mul3A_195 : vector<16xi32>
    %mul3A_197 = arith.constant 32 : i32
    %mul3A_198 = vector.broadcast %mul3A_197 : i32 to vector<16xi32>
    %mul3A_199 = arith.muli %mul3A_198, %sub3A_196 : vector<16xi32>
    %add3A_200 = arith.constant 16 : i32
    %add3A_201 = vector.broadcast %add3A_200 : i32 to vector<16xi32>
    %add3A_202 = arith.addi %add3A_201, %mul3A_199 : vector<16xi32>
    %gather3A_203 = tpu.vector_load_idx %arg4[%shift_right_logical3A_182, %shift_right_logical3A_192, %sub3A, %add3A_202] : memref<16x7x1x224xf32, #tpu.memory_space<vmem>>[vector<16xi32>, vector<16xi32>, vector<16xi32>, vector<16xi32>], vector<16xf32>,
    %swap3A_204 = arith.constant 80 : index
    %swap3A_205 = tpu.vector_load %arg5[%swap3A_204] {strides = array<i32>} : memref<784xf32, #tpu.memory_space<vmem>>, vector<16xf32>,
    tpu.vector_store %arg5[%swap3A_204], %gather3A_203 {strides = array<i32>} : memref<784xf32, #tpu.memory_space<vmem>>, vector<16xf32>,
    %add3A_206 = arith.constant 96 : i32
    %add3A_207 = vector.broadcast %add3A_206 : i32 to vector<16xi32>
    %add3A_208 = arith.addi %iota3A, %add3A_207 : vector<16xi32>
    %mul3A_209 = arith.constant 5350 : i32
    %mul3A_210 = vector.broadcast %mul3A_209 : i32 to vector<16xi32>
    %mul3A_211 = arith.muli %add3A_208, %mul3A_210 : vector<16xi32>
    %shift_right_logical3A_212 = arith.constant 18 : i32
    %shift_right_logical3A_213 = vector.broadcast %shift_right_logical3A_212 : i32 to vector<16xi32>
    %shift_right_logical3A_214 = arith.shrui %mul3A_211, %shift_right_logical3A_213 : vector<16xi32>
    %mul3A_215 = arith.constant 49 : i32
    %mul3A_216 = vector.broadcast %mul3A_215 : i32 to vector<16xi32>
    %mul3A_217 = arith.muli %mul3A_216, %shift_right_logical3A_214 : vector<16xi32>
    %sub3A_218 = arith.subi %add3A_208, %mul3A_217 : vector<16xi32>
    %mul3A_219 = arith.constant 37450 : i32
    %mul3A_220 = vector.broadcast %mul3A_219 : i32 to vector<16xi32>
    %mul3A_221 = arith.muli %sub3A_218, %mul3A_220 : vector<16xi32>
    %shift_right_logical3A_222 = arith.constant 18 : i32
    %shift_right_logical3A_223 = vector.broadcast %shift_right_logical3A_222 : i32 to vector<16xi32>
    %shift_right_logical3A_224 = arith.shrui %mul3A_221, %shift_right_logical3A_223 : vector<16xi32>
    %mul3A_225 = arith.constant 7 : i32
    %mul3A_226 = vector.broadcast %mul3A_225 : i32 to vector<16xi32>
    %mul3A_227 = arith.muli %mul3A_226, %shift_right_logical3A_224 : vector<16xi32>
    %sub3A_228 = arith.subi %sub3A_218, %mul3A_227 : vector<16xi32>
    %mul3A_229 = arith.constant 32 : i32
    %mul3A_230 = vector.broadcast %mul3A_229 : i32 to vector<16xi32>
    %mul3A_231 = arith.muli %mul3A_230, %sub3A_228 : vector<16xi32>
    %add3A_232 = arith.constant 16 : i32
    %add3A_233 = vector.broadcast %add3A_232 : i32 to vector<16xi32>
    %add3A_234 = arith.addi %add3A_233, %mul3A_231 : vector<16xi32>
    %gather3A_235 = tpu.vector_load_idx %arg4[%shift_right_logical3A_214, %shift_right_logical3A_224, %sub3A, %add3A_234] : memref<16x7x1x224xf32, #tpu.memory_space<vmem>>[vector<16xi32>, vector<16xi32>, vector<16xi32>, vector<16xi32>], vector<16xf32>,
    %swap3A_236 = arith.constant 96 : index
    %swap3A_237 = tpu.vector_load %arg5[%swap3A_236] {strides = array<i32>} : memref<784xf32, #tpu.memory_space<vmem>>, vector<16xf32>,
    tpu.vector_store %arg5[%swap3A_236], %gather3A_235 {strides = array<i32>} : memref<784xf32, #tpu.memory_space<vmem>>, vector<16xf32>,
    %add3A_238 = arith.constant 112 : i32
    %add3A_239 = vector.broadcast %add3A_238 : i32 to vector<16xi32>
    %add3A_240 = arith.addi %iota3A, %add3A_239 : vector<16xi32>
    %mul3A_241 = arith.constant 5350 : i32
    %mul3A_242 = vector.broadcast %mul3A_241 : i32 to vector<16xi32>
    %mul3A_243 = arith.muli %add3A_240, %mul3A_242 : vector<16xi32>
    %shift_right_logical3A_244 = arith.constant 18 : i32
    %shift_right_logical3A_245 = vector.broadcast %shift_right_logical3A_244 : i32 to vector<16xi32>
    %shift_right_logical3A_246 = arith.shrui %mul3A_243, %shift_right_logical3A_245 : vector<16xi32>
    %mul3A_247 = arith.constant 49 : i32
    %mul3A_248 = vector.broadcast %mul3A_247 : i32 to vector<16xi32>
    %mul3A_249 = arith.muli %mul3A_248, %shift_right_logical3A_246 : vector<16xi32>
    %sub3A_250 = arith.subi %add3A_240, %mul3A_249 : vector<16xi32>
    %mul3A_251 = arith.constant 37450 : i32
    %mul3A_252 = vector.broadcast %mul3A_251 : i32 to vector<16xi32>
    %mul3A_253 = arith.muli %sub3A_250, %mul3A_252 : vector<16xi32>
    %shift_right_logical3A_254 = arith.constant 18 : i32
    %shift_right_logical3A_255 = vector.broadcast %shift_right_logical3A_254 : i32 to vector<16xi32>
    %shift_right_logical3A_256 = arith.shrui %mul3A_253, %shift_right_logical3A_255 : vector<16xi32>
    %mul3A_257 = arith.constant 7 : i32
    %mul3A_258 = vector.broadcast %mul3A_257 : i32 to vector<16xi32>
    %mul3A_259 = arith.muli %mul3A_258, %shift_right_logical3A_256 : vector<16xi32>
    %sub3A_260 = arith.subi %sub3A_250, %mul3A_259 : vector<16xi32>
    %mul3A_261 = arith.constant 32 : i32
    %mul3A_262 = vector.broadcast %mul3A_261 : i32 to vector<16xi32>
    %mul3A_263 = arith.muli %mul3A_262, %sub3A_260 : vector<16xi32>
    %add3A_264 = arith.constant 16 : i32
    %add3A_265 = vector.broadcast %add3A_264 : i32 to vector<16xi32>
    %add3A_266 = arith.addi %add3A_265, %mul3A_263 : vector<16xi32>
    %gather3A_267 = tpu.vector_load_idx %arg4[%shift_right_logical3A_246, %shift_right_logical3A_256, %sub3A, %add3A_266] : memref<16x7x1x224xf32, #tpu.memory_space<vmem>>[vector<16xi32>, vector<16xi32>, vector<16xi32>, vector<16xi32>], vector<16xf32>,
    %swap3A_268 = arith.constant 112 : index
    %swap3A_269 = tpu.vector_load %arg5[%swap3A_268] {strides = array<i32>} : memref<784xf32, #tpu.memory_space<vmem>>, vector<16xf32>,
    tpu.vector_store %arg5[%swap3A_268], %gather3A_267 {strides = array<i32>} : memref<784xf32, #tpu.memory_space<vmem>>, vector<16xf32>,
    %add3A_270 = arith.constant 128 : i32
    %add3A_271 = vector.broadcast %add3A_270 : i32 to vector<16xi32>
    %add3A_272 = arith.addi %iota3A, %add3A_271 : vector<16xi32>
    %mul3A_273 = arith.constant 5350 : i32
    %mul3A_274 = vector.broadcast %mul3A_273 : i32 to vector<16xi32>
    %mul3A_275 = arith.muli %add3A_272, %mul3A_274 : vector<16xi32>
    %shift_right_logical3A_276 = arith.constant 18 : i32
    %shift_right_logical3A_277 = vector.broadcast %shift_right_logical3A_276 : i32 to vector<16xi32>
    %shift_right_logical3A_278 = arith.shrui %mul3A_275, %shift_right_logical3A_277 : vector<16xi32>
    %mul3A_279 = arith.constant 49 : i32
    %mul3A_280 = vector.broadcast %mul3A_279 : i32 to vector<16xi32>
    %mul3A_281 = arith.muli %mul3A_280, %shift_right_logical3A_278 : vector<16xi32>
    %sub3A_282 = arith.subi %add3A_272, %mul3A_281 : vector<16xi32>
    %mul3A_283 = arith.constant 37450 : i32
    %mul3A_284 = vector.broadcast %mul3A_283 : i32 to vector<16xi32>
    %mul3A_285 = arith.muli %sub3A_282, %mul3A_284 : vector<16xi32>
    %shift_right_logical3A_286 = arith.constant 18 : i32
    %shift_right_logical3A_287 = vector.broadcast %shift_right_logical3A_286 : i32 to vector<16xi32>
    %shift_right_logical3A_288 = arith.shrui %mul3A_285, %shift_right_logical3A_287 : vector<16xi32>
    %mul3A_289 = arith.constant 7 : i32
    %mul3A_290 = vector.broadcast %mul3A_289 : i32 to vector<16xi32>
    %mul3A_291 = arith.muli %mul3A_290, %shift_right_logical3A_288 : vector<16xi32>
    %sub3A_292 = arith.subi %sub3A_282, %mul3A_291 : vector<16xi32>
    %mul3A_293 = arith.constant 32 : i32
    %mul3A_294 = vector.broadcast %mul3A_293 : i32 to vector<16xi32>
    %mul3A_295 = arith.muli %mul3A_294, %sub3A_292 : vector<16xi32>
    %add3A_296 = arith.constant 16 : i32
    %add3A_297 = vector.broadcast %add3A_296 : i32 to vector<16xi32>
    %add3A_298 = arith.addi %add3A_297, %mul3A_295 : vector<16xi32>
    %gather3A_299 = tpu.vector_load_idx %arg4[%shift_right_logical3A_278, %shift_right_logical3A_288, %sub3A, %add3A_298] : memref<16x7x1x224xf32, #tpu.memory_space<vmem>>[vector<16xi32>, vector<16xi32>, vector<16xi32>, vector<16xi32>], vector<16xf32>,
    %swap3A_300 = arith.constant 128 : index
    %swap3A_301 = tpu.vector_load %arg5[%swap3A_300] {strides = array<i32>} : memref<784xf32, #tpu.memory_space<vmem>>, vector<16xf32>,
    tpu.vector_store %arg5[%swap3A_300], %gather3A_299 {strides = array<i32>} : memref<784xf32, #tpu.memory_space<vmem>>, vector<16xf32>,
    %add3A_302 = arith.constant 144 : i32
    %add3A_303 = vector.broadcast %add3A_302 : i32 to vector<16xi32>
    %add3A_304 = arith.addi %iota3A, %add3A_303 : vector<16xi32>
    %mul3A_305 = arith.constant 5350 : i32
    %mul3A_306 = vector.broadcast %mul3A_305 : i32 to vector<16xi32>
    %mul3A_307 = arith.muli %add3A_304, %mul3A_306 : vector<16xi32>
    %shift_right_logical3A_308 = arith.constant 18 : i32
    %shift_right_logical3A_309 = vector.broadcast %shift_right_logical3A_308 : i32 to vector<16xi32>
    %shift_right_logical3A_310 = arith.shrui %mul3A_307, %shift_right_logical3A_309 : vector<16xi32>
    %mul3A_311 = arith.constant 49 : i32
    %mul3A_312 = vector.broadcast %mul3A_311 : i32 to vector<16xi32>
    %mul3A_313 = arith.muli %mul3A_312, %shift_right_logical3A_310 : vector<16xi32>
    %sub3A_314 = arith.subi %add3A_304, %mul3A_313 : vector<16xi32>
    %mul3A_315 = arith.constant 37450 : i32
    %mul3A_316 = vector.broadcast %mul3A_315 : i32 to vector<16xi32>
    %mul3A_317 = arith.muli %sub3A_314, %mul3A_316 : vector<16xi32>
    %shift_right_logical3A_318 = arith.constant 18 : i32
    %shift_right_logical3A_319 = vector.broadcast %shift_right_logical3A_318 : i32 to vector<16xi32>
    %shift_right_logical3A_320 = arith.shrui %mul3A_317, %shift_right_logical3A_319 : vector<16xi32>
    %mul3A_321 = arith.constant 7 : i32
    %mul3A_322 = vector.broadcast %mul3A_321 : i32 to vector<16xi32>
    %mul3A_323 = arith.muli %mul3A_322, %shift_right_logical3A_320 : vector<16xi32>
    %sub3A_324 = arith.subi %sub3A_314, %mul3A_323 : vector<16xi32>
    %mul3A_325 = arith.constant 32 : i32
    %mul3A_326 = vector.broadcast %mul3A_325 : i32 to vector<16xi32>
    %mul3A_327 = arith.muli %mul3A_326, %sub3A_324 : vector<16xi32>
    %add3A_328 = arith.constant 16 : i32
    %add3A_329 = vector.broadcast %add3A_328 : i32 to vector<16xi32>
    %add3A_330 = arith.addi %add3A_329, %mul3A_327 : vector<16xi32>
    %gather3A_331 = tpu.vector_load_idx %arg4[%shift_right_logical3A_310, %shift_right_logical3A_320, %sub3A, %add3A_330] : memref<16x7x1x224xf32, #tpu.memory_space<vmem>>[vector<16xi32>, vector<16xi32>, vector<16xi32>, vector<16xi32>], vector<16xf32>,
    %swap3A_332 = arith.constant 144 : index
    %swap3A_333 = tpu.vector_load %arg5[%swap3A_332] {strides = array<i32>} : memref<784xf32, #tpu.memory_space<vmem>>, vector<16xf32>,
    tpu.vector_store %arg5[%swap3A_332], %gather3A_331 {strides = array<i32>} : memref<784xf32, #tpu.memory_space<vmem>>, vector<16xf32>,
    %add3A_334 = arith.constant 160 : i32
    %add3A_335 = vector.broadcast %add3A_334 : i32 to vector<16xi32>
    %add3A_336 = arith.addi %iota3A, %add3A_335 : vector<16xi32>
    %mul3A_337 = arith.constant 5350 : i32
    %mul3A_338 = vector.broadcast %mul3A_337 : i32 to vector<16xi32>
    %mul3A_339 = arith.muli %add3A_336, %mul3A_338 : vector<16xi32>
    %shift_right_logical3A_340 = arith.constant 18 : i32
    %shift_right_logical3A_341 = vector.broadcast %shift_right_logical3A_340 : i32 to vector<16xi32>
    %shift_right_logical3A_342 = arith.shrui %mul3A_339, %shift_right_logical3A_341 : vector<16xi32>
    %mul3A_343 = arith.constant 49 : i32
    %mul3A_344 = vector.broadcast %mul3A_343 : i32 to vector<16xi32>
    %mul3A_345 = arith.muli %mul3A_344, %shift_right_logical3A_342 : vector<16xi32>
    %sub3A_346 = arith.subi %add3A_336, %mul3A_345 : vector<16xi32>
    %mul3A_347 = arith.constant 37450 : i32
    %mul3A_348 = vector.broadcast %mul3A_347 : i32 to vector<16xi32>
    %mul3A_349 = arith.muli %sub3A_346, %mul3A_348 : vector<16xi32>
    %shift_right_logical3A_350 = arith.constant 18 : i32
    %shift_right_logical3A_351 = vector.broadcast %shift_right_logical3A_350 : i32 to vector<16xi32>
    %shift_right_logical3A_352 = arith.shrui %mul3A_349, %shift_right_logical3A_351 : vector<16xi32>
    %mul3A_353 = arith.constant 7 : i32
    %mul3A_354 = vector.broadcast %mul3A_353 : i32 to vector<16xi32>
    %mul3A_355 = arith.muli %mul3A_354, %shift_right_logical3A_352 : vector<16xi32>
    %sub3A_356 = arith.subi %sub3A_346, %mul3A_355 : vector<16xi32>
    %mul3A_357 = arith.constant 32 : i32
    %mul3A_358 = vector.broadcast %mul3A_357 : i32 to vector<16xi32>
    %mul3A_359 = arith.muli %mul3A_358, %sub3A_356 : vector<16xi32>
    %add3A_360 = arith.constant 16 : i32
    %add3A_361 = vector.broadcast %add3A_360 : i32 to vector<16xi32>
    %add3A_362 = arith.addi %add3A_361, %mul3A_359 : vector<16xi32>
    %gather3A_363 = tpu.vector_load_idx %arg4[%shift_right_logical3A_342, %shift_right_logical3A_352, %sub3A, %add3A_362] : memref<16x7x1x224xf32, #tpu.memory_space<vmem>>[vector<16xi32>, vector<16xi32>, vector<16xi32>, vector<16xi32>], vector<16xf32>,
    %swap3A_364 = arith.constant 160 : index
    %swap3A_365 = tpu.vector_load %arg5[%swap3A_364] {strides = array<i32>} : memref<784xf32, #tpu.memory_space<vmem>>, vector<16xf32>,
    tpu.vector_store %arg5[%swap3A_364], %gather3A_363 {strides = array<i32>} : memref<784xf32, #tpu.memory_space<vmem>>, vector<16xf32>,
    %add3A_366 = arith.constant 176 : i32
    %add3A_367 = vector.broadcast %add3A_366 : i32 to vector<16xi32>
    %add3A_368 = arith.addi %iota3A, %add3A_367 : vector<16xi32>
    %mul3A_369 = arith.constant 5350 : i32
    %mul3A_370 = vector.broadcast %mul3A_369 : i32 to vector<16xi32>
    %mul3A_371 = arith.muli %add3A_368, %mul3A_370 : vector<16xi32>
    %shift_right_logical3A_372 = arith.constant 18 : i32
    %shift_right_logical3A_373 = vector.broadcast %shift_right_logical3A_372 : i32 to vector<16xi32>
    %shift_right_logical3A_374 = arith.shrui %mul3A_371, %shift_right_logical3A_373 : vector<16xi32>
    %mul3A_375 = arith.constant 49 : i32
    %mul3A_376 = vector.broadcast %mul3A_375 : i32 to vector<16xi32>
    %mul3A_377 = arith.muli %mul3A_376, %shift_right_logical3A_374 : vector<16xi32>
    %sub3A_378 = arith.subi %add3A_368, %mul3A_377 : vector<16xi32>
    %mul3A_379 = arith.constant 37450 : i32
    %mul3A_380 = vector.broadcast %mul3A_379 : i32 to vector<16xi32>
    %mul3A_381 = arith.muli %sub3A_378, %mul3A_380 : vector<16xi32>
    %shift_right_logical3A_382 = arith.constant 18 : i32
    %shift_right_logical3A_383 = vector.broadcast %shift_right_logical3A_382 : i32 to vector<16xi32>
    %shift_right_logical3A_384 = arith.shrui %mul3A_381, %shift_right_logical3A_383 : vector<16xi32>
    %mul3A_385 = arith.constant 7 : i32
    %mul3A_386 = vector.broadcast %mul3A_385 : i32 to vector<16xi32>
    %mul3A_387 = arith.muli %mul3A_386, %shift_right_logical3A_384 : vector<16xi32>
    %sub3A_388 = arith.subi %sub3A_378, %mul3A_387 : vector<16xi32>
    %mul3A_389 = arith.constant 32 : i32
    %mul3A_390 = vector.broadcast %mul3A_389 : i32 to vector<16xi32>
    %mul3A_391 = arith.muli %mul3A_390, %sub3A_388 : vector<16xi32>
    %add3A_392 = arith.constant 16 : i32
    %add3A_393 = vector.broadcast %add3A_392 : i32 to vector<16xi32>
    %add3A_394 = arith.addi %add3A_393, %mul3A_391 : vector<16xi32>
    %gather3A_395 = tpu.vector_load_idx %arg4[%shift_right_logical3A_374, %shift_right_logical3A_384, %sub3A, %add3A_394] : memref<16x7x1x224xf32, #tpu.memory_space<vmem>>[vector<16xi32>, vector<16xi32>, vector<16xi32>, vector<16xi32>], vector<16xf32>,
    %swap3A_396 = arith.constant 176 : index
    %swap3A_397 = tpu.vector_load %arg5[%swap3A_396] {strides = array<i32>} : memref<784xf32, #tpu.memory_space<vmem>>, vector<16xf32>,
    tpu.vector_store %arg5[%swap3A_396], %gather3A_395 {strides = array<i32>} : memref<784xf32, #tpu.memory_space<vmem>>, vector<16xf32>,
    %add3A_398 = arith.constant 192 : i32
    %add3A_399 = vector.broadcast %add3A_398 : i32 to vector<16xi32>
    %add3A_400 = arith.addi %iota3A, %add3A_399 : vector<16xi32>
    %mul3A_401 = arith.constant 5350 : i32
    %mul3A_402 = vector.broadcast %mul3A_401 : i32 to vector<16xi32>
    %mul3A_403 = arith.muli %add3A_400, %mul3A_402 : vector<16xi32>
    %shift_right_logical3A_404 = arith.constant 18 : i32
    %shift_right_logical3A_405 = vector.broadcast %shift_right_logical3A_404 : i32 to vector<16xi32>
    %shift_right_logical3A_406 = arith.shrui %mul3A_403, %shift_right_logical3A_405 : vector<16xi32>
    %mul3A_407 = arith.constant 49 : i32
    %mul3A_408 = vector.broadcast %mul3A_407 : i32 to vector<16xi32>
    %mul3A_409 = arith.muli %mul3A_408, %shift_right_logical3A_406 : vector<16xi32>
    %sub3A_410 = arith.subi %add3A_400, %mul3A_409 : vector<16xi32>
    %mul3A_411 = arith.constant 37450 : i32
    %mul3A_412 = vector.broadcast %mul3A_411 : i32 to vector<16xi32>
    %mul3A_413 = arith.muli %sub3A_410, %mul3A_412 : vector<16xi32>
    %shift_right_logical3A_414 = arith.constant 18 : i32
    %shift_right_logical3A_415 = vector.broadcast %shift_right_logical3A_414 : i32 to vector<16xi32>
    %shift_right_logical3A_416 = arith.shrui %mul3A_413, %shift_right_logical3A_415 : vector<16xi32>
    %mul3A_417 = arith.constant 7 : i32
    %mul3A_418 = vector.broadcast %mul3A_417 : i32 to vector<16xi32>
    %mul3A_419 = arith.muli %mul3A_418, %shift_right_logical3A_416 : vector<16xi32>
    %sub3A_420 = arith.subi %sub3A_410, %mul3A_419 : vector<16xi32>
    %mul3A_421 = arith.constant 32 : i32
    %mul3A_422 = vector.broadcast %mul3A_421 : i32 to vector<16xi32>
    %mul3A_423 = arith.muli %mul3A_422, %sub3A_420 : vector<16xi32>
    %add3A_424 = arith.constant 16 : i32
    %add3A_425 = vector.broadcast %add3A_424 : i32 to vector<16xi32>
    %add3A_426 = arith.addi %add3A_425, %mul3A_423 : vector<16xi32>
    %gather3A_427 = tpu.vector_load_idx %arg4[%shift_right_logical3A_406, %shift_right_logical3A_416, %sub3A, %add3A_426] : memref<16x7x1x224xf32, #tpu.memory_space<vmem>>[vector<16xi32>, vector<16xi32>, vector<16xi32>, vector<16xi32>], vector<16xf32>,
    %swap3A_428 = arith.constant 192 : index
    %swap3A_429 = tpu.vector_load %arg5[%swap3A_428] {strides = array<i32>} : memref<784xf32, #tpu.memory_space<vmem>>, vector<16xf32>,
    tpu.vector_store %arg5[%swap3A_428], %gather3A_427 {strides = array<i32>} : memref<784xf32, #tpu.memory_space<vmem>>, vector<16xf32>,
    %add3A_430 = arith.constant 208 : i32
    %add3A_431 = vector.broadcast %add3A_430 : i32 to vector<16xi32>
    %add3A_432 = arith.addi %iota3A, %add3A_431 : vector<16xi32>
    %mul3A_433 = arith.constant 5350 : i32
    %mul3A_434 = vector.broadcast %mul3A_433 : i32 to vector<16xi32>
    %mul3A_435 = arith.muli %add3A_432, %mul3A_434 : vector<16xi32>
    %shift_right_logical3A_436 = arith.constant 18 : i32
    %shift_right_logical3A_437 = vector.broadcast %shift_right_logical3A_436 : i32 to vector<16xi32>
    %shift_right_logical3A_438 = arith.shrui %mul3A_435, %shift_right_logical3A_437 : vector<16xi32>
    %mul3A_439 = arith.constant 49 : i32
    %mul3A_440 = vector.broadcast %mul3A_439 : i32 to vector<16xi32>
    %mul3A_441 = arith.muli %mul3A_440, %shift_right_logical3A_438 : vector<16xi32>
    %sub3A_442 = arith.subi %add3A_432, %mul3A_441 : vector<16xi32>
    %mul3A_443 = arith.constant 37450 : i32
    %mul3A_444 = vector.broadcast %mul3A_443 : i32 to vector<16xi32>
    %mul3A_445 = arith.muli %sub3A_442, %mul3A_444 : vector<16xi32>
    %shift_right_logical3A_446 = arith.constant 18 : i32
    %shift_right_logical3A_447 = vector.broadcast %shift_right_logical3A_446 : i32 to vector<16xi32>
    %shift_right_logical3A_448 = arith.shrui %mul3A_445, %shift_right_logical3A_447 : vector<16xi32>
    %mul3A_449 = arith.constant 7 : i32
    %mul3A_450 = vector.broadcast %mul3A_449 : i32 to vector<16xi32>
    %mul3A_451 = arith.muli %mul3A_450, %shift_right_logical3A_448 : vector<16xi32>
    %sub3A_452 = arith.subi %sub3A_442, %mul3A_451 : vector<16xi32>
    %mul3A_453 = arith.constant 32 : i32
    %mul3A_454 = vector.broadcast %mul3A_453 : i32 to vector<16xi32>
    %mul3A_455 = arith.muli %mul3A_454, %sub3A_452 : vector<16xi32>
    %add3A_456 = arith.constant 16 : i32
    %add3A_457 = vector.broadcast %add3A_456 : i32 to vector<16xi32>
    %add3A_458 = arith.addi %add3A_457, %mul3A_455 : vector<16xi32>
    %gather3A_459 = tpu.vector_load_idx %arg4[%shift_right_logical3A_438, %shift_right_logical3A_448, %sub3A, %add3A_458] : memref<16x7x1x224xf32, #tpu.memory_space<vmem>>[vector<16xi32>, vector<16xi32>, vector<16xi32>, vector<16xi32>], vector<16xf32>,
    %swap3A_460 = arith.constant 208 : index
    %swap3A_461 = tpu.vector_load %arg5[%swap3A_460] {strides = array<i32>} : memref<784xf32, #tpu.memory_space<vmem>>, vector<16xf32>,
    tpu.vector_store %arg5[%swap3A_460], %gather3A_459 {strides = array<i32>} : memref<784xf32, #tpu.memory_space<vmem>>, vector<16xf32>,
    %add3A_462 = arith.constant 224 : i32
    %add3A_463 = vector.broadcast %add3A_462 : i32 to vector<16xi32>
    %add3A_464 = arith.addi %iota3A, %add3A_463 : vector<16xi32>
    %mul3A_465 = arith.constant 5350 : i32
    %mul3A_466 = vector.broadcast %mul3A_465 : i32 to vector<16xi32>
    %mul3A_467 = arith.muli %add3A_464, %mul3A_466 : vector<16xi32>
    %shift_right_logical3A_468 = arith.constant 18 : i32
    %shift_right_logical3A_469 = vector.broadcast %shift_right_logical3A_468 : i32 to vector<16xi32>
    %shift_right_logical3A_470 = arith.shrui %mul3A_467, %shift_right_logical3A_469 : vector<16xi32>
    %mul3A_471 = arith.constant 49 : i32
    %mul3A_472 = vector.broadcast %mul3A_471 : i32 to vector<16xi32>
    %mul3A_473 = arith.muli %mul3A_472, %shift_right_logical3A_470 : vector<16xi32>
    %sub3A_474 = arith.subi %add3A_464, %mul3A_473 : vector<16xi32>
    %mul3A_475 = arith.constant 37450 : i32
    %mul3A_476 = vector.broadcast %mul3A_475 : i32 to vector<16xi32>
    %mul3A_477 = arith.muli %sub3A_474, %mul3A_476 : vector<16xi32>
    %shift_right_logical3A_478 = arith.constant 18 : i32
    %shift_right_logical3A_479 = vector.broadcast %shift_right_logical3A_478 : i32 to vector<16xi32>
    %shift_right_logical3A_480 = arith.shrui %mul3A_477, %shift_right_logical3A_479 : vector<16xi32>
    %mul3A_481 = arith.constant 7 : i32
    %mul3A_482 = vector.broadcast %mul3A_481 : i32 to vector<16xi32>
    %mul3A_483 = arith.muli %mul3A_482, %shift_right_logical3A_480 : vector<16xi32>
    %sub3A_484 = arith.subi %sub3A_474, %mul3A_483 : vector<16xi32>
    %mul3A_485 = arith.constant 32 : i32
    %mul3A_486 = vector.broadcast %mul3A_485 : i32 to vector<16xi32>
    %mul3A_487 = arith.muli %mul3A_486, %sub3A_484 : vector<16xi32>
    %add3A_488 = arith.constant 16 : i32
    %add3A_489 = vector.broadcast %add3A_488 : i32 to vector<16xi32>
    %add3A_490 = arith.addi %add3A_489, %mul3A_487 : vector<16xi32>
    %gather3A_491 = tpu.vector_load_idx %arg4[%shift_right_logical3A_470, %shift_right_logical3A_480, %sub3A, %add3A_490] : memref<16x7x1x224xf32, #tpu.memory_space<vmem>>[vector<16xi32>, vector<16xi32>, vector<16xi32>, vector<16xi32>], vector<16xf32>,
    %swap3A_492 = arith.constant 224 : index
    %swap3A_493 = tpu.vector_load %arg5[%swap3A_492] {strides = array<i32>} : memref<784xf32, #tpu.memory_space<vmem>>, vector<16xf32>,
    tpu.vector_store %arg5[%swap3A_492], %gather3A_491 {strides = array<i32>} : memref<784xf32, #tpu.memory_space<vmem>>, vector<16xf32>,
    %add3A_494 = arith.constant 240 : i32
    %add3A_495 = vector.broadcast %add3A_494 : i32 to vector<16xi32>
    %add3A_496 = arith.addi %iota3A, %add3A_495 : vector<16xi32>
    %mul3A_497 = arith.constant 5350 : i32
    %mul3A_498 = vector.broadcast %mul3A_497 : i32 to vector<16xi32>
    %mul3A_499 = arith.muli %add3A_496, %mul3A_498 : vector<16xi32>
    %shift_right_logical3A_500 = arith.constant 18 : i32
    %shift_right_logical3A_501 = vector.broadcast %shift_right_logical3A_500 : i32 to vector<16xi32>
    %shift_right_logical3A_502 = arith.shrui %mul3A_499, %shift_right_logical3A_501 : vector<16xi32>
    %mul3A_503 = arith.constant 49 : i32
    %mul3A_504 = vector.broadcast %mul3A_503 : i32 to vector<16xi32>
    %mul3A_505 = arith.muli %mul3A_504, %shift_right_logical3A_502 : vector<16xi32>
    %sub3A_506 = arith.subi %add3A_496, %mul3A_505 : vector<16xi32>
    %mul3A_507 = arith.constant 37450 : i32
    %mul3A_508 = vector.broadcast %mul3A_507 : i32 to vector<16xi32>
    %mul3A_509 = arith.muli %sub3A_506, %mul3A_508 : vector<16xi32>
    %shift_right_logical3A_510 = arith.constant 18 : i32
    %shift_right_logical3A_511 = vector.broadcast %shift_right_logical3A_510 : i32 to vector<16xi32>
    %shift_right_logical3A_512 = arith.shrui %mul3A_509, %shift_right_logical3A_511 : vector<16xi32>
    %mul3A_513 = arith.constant 7 : i32
    %mul3A_514 = vector.broadcast %mul3A_513 : i32 to vector<16xi32>
    %mul3A_515 = arith.muli %mul3A_514, %shift_right_logical3A_512 : vector<16xi32>
    %sub3A_516 = arith.subi %sub3A_506, %mul3A_515 : vector<16xi32>
    %mul3A_517 = arith.constant 32 : i32
    %mul3A_518 = vector.broadcast %mul3A_517 : i32 to vector<16xi32>
    %mul3A_519 = arith.muli %mul3A_518, %sub3A_516 : vector<16xi32>
    %add3A_520 = arith.constant 16 : i32
    %add3A_521 = vector.broadcast %add3A_520 : i32 to vector<16xi32>
    %add3A_522 = arith.addi %add3A_521, %mul3A_519 : vector<16xi32>
    %gather3A_523 = tpu.vector_load_idx %arg4[%shift_right_logical3A_502, %shift_right_logical3A_512, %sub3A, %add3A_522] : memref<16x7x1x224xf32, #tpu.memory_space<vmem>>[vector<16xi32>, vector<16xi32>, vector<16xi32>, vector<16xi32>], vector<16xf32>,
    %swap3A_524 = arith.constant 240 : index
    %swap3A_525 = tpu.vector_load %arg5[%swap3A_524] {strides = array<i32>} : memref<784xf32, #tpu.memory_space<vmem>>, vector<16xf32>,
    tpu.vector_store %arg5[%swap3A_524], %gather3A_523 {strides = array<i32>} : memref<784xf32, #tpu.memory_space<vmem>>, vector<16xf32>,
    %add3A_526 = arith.constant 256 : i32
    %add3A_527 = vector.broadcast %add3A_526 : i32 to vector<16xi32>
    %add3A_528 = arith.addi %iota3A, %add3A_527 : vector<16xi32>
    %mul3A_529 = arith.constant 5350 : i32
    %mul3A_530 = vector.broadcast %mul3A_529 : i32 to vector<16xi32>
    %mul3A_531 = arith.muli %add3A_528, %mul3A_530 : vector<16xi32>
    %shift_right_logical3A_532 = arith.constant 18 : i32
    %shift_right_logical3A_533 = vector.broadcast %shift_right_logical3A_532 : i32 to vector<16xi32>
    %shift_right_logical3A_534 = arith.shrui %mul3A_531, %shift_right_logical3A_533 : vector<16xi32>
    %mul3A_535 = arith.constant 49 : i32
    %mul3A_536 = vector.broadcast %mul3A_535 : i32 to vector<16xi32>
    %mul3A_537 = arith.muli %mul3A_536, %shift_right_logical3A_534 : vector<16xi32>
    %sub3A_538 = arith.subi %add3A_528, %mul3A_537 : vector<16xi32>
    %mul3A_539 = arith.constant 37450 : i32
    %mul3A_540 = vector.broadcast %mul3A_539 : i32 to vector<16xi32>
    %mul3A_541 = arith.muli %sub3A_538, %mul3A_540 : vector<16xi32>
    %shift_right_logical3A_542 = arith.constant 18 : i32
    %shift_right_logical3A_543 = vector.broadcast %shift_right_logical3A_542 : i32 to vector<16xi32>
    %shift_right_logical3A_544 = arith.shrui %mul3A_541, %shift_right_logical3A_543 : vector<16xi32>
    %mul3A_545 = arith.constant 7 : i32
    %mul3A_546 = vector.broadcast %mul3A_545 : i32 to vector<16xi32>
    %mul3A_547 = arith.muli %mul3A_546, %shift_right_logical3A_544 : vector<16xi32>
    %sub3A_548 = arith.subi %sub3A_538, %mul3A_547 : vector<16xi32>
    %mul3A_549 = arith.constant 32 : i32
    %mul3A_550 = vector.broadcast %mul3A_549 : i32 to vector<16xi32>
    %mul3A_551 = arith.muli %mul3A_550, %sub3A_548 : vector<16xi32>
    %add3A_552 = arith.constant 16 : i32
    %add3A_553 = vector.broadcast %add3A_552 : i32 to vector<16xi32>
    %add3A_554 = arith.addi %add3A_553, %mul3A_551 : vector<16xi32>
    %gather3A_555 = tpu.vector_load_idx %arg4[%shift_right_logical3A_534, %shift_right_logical3A_544, %sub3A, %add3A_554] : memref<16x7x1x224xf32, #tpu.memory_space<vmem>>[vector<16xi32>, vector<16xi32>, vector<16xi32>, vector<16xi32>], vector<16xf32>,
    %swap3A_556 = arith.constant 256 : index
    %swap3A_557 = tpu.vector_load %arg5[%swap3A_556] {strides = array<i32>} : memref<784xf32, #tpu.memory_space<vmem>>, vector<16xf32>,
    tpu.vector_store %arg5[%swap3A_556], %gather3A_555 {strides = array<i32>} : memref<784xf32, #tpu.memory_space<vmem>>, vector<16xf32>,
    %add3A_558 = arith.constant 272 : i32
    %add3A_559 = vector.broadcast %add3A_558 : i32 to vector<16xi32>
    %add3A_560 = arith.addi %iota3A, %add3A_559 : vector<16xi32>
    %mul3A_561 = arith.constant 5350 : i32
    %mul3A_562 = vector.broadcast %mul3A_561 : i32 to vector<16xi32>
    %mul3A_563 = arith.muli %add3A_560, %mul3A_562 : vector<16xi32>
    %shift_right_logical3A_564 = arith.constant 18 : i32
    %shift_right_logical3A_565 = vector.broadcast %shift_right_logical3A_564 : i32 to vector<16xi32>
    %shift_right_logical3A_566 = arith.shrui %mul3A_563, %shift_right_logical3A_565 : vector<16xi32>
    %mul3A_567 = arith.constant 49 : i32
    %mul3A_568 = vector.broadcast %mul3A_567 : i32 to vector<16xi32>
    %mul3A_569 = arith.muli %mul3A_568, %shift_right_logical3A_566 : vector<16xi32>
    %sub3A_570 = arith.subi %add3A_560, %mul3A_569 : vector<16xi32>
    %mul3A_571 = arith.constant 37450 : i32
    %mul3A_572 = vector.broadcast %mul3A_571 : i32 to vector<16xi32>
    %mul3A_573 = arith.muli %sub3A_570, %mul3A_572 : vector<16xi32>
    %shift_right_logical3A_574 = arith.constant 18 : i32
    %shift_right_logical3A_575 = vector.broadcast %shift_right_logical3A_574 : i32 to vector<16xi32>
    %shift_right_logical3A_576 = arith.shrui %mul3A_573, %shift_right_logical3A_575 : vector<16xi32>
    %mul3A_577 = arith.constant 7 : i32
    %mul3A_578 = vector.broadcast %mul3A_577 : i32 to vector<16xi32>
    %mul3A_579 = arith.muli %mul3A_578, %shift_right_logical3A_576 : vector<16xi32>
    %sub3A_580 = arith.subi %sub3A_570, %mul3A_579 : vector<16xi32>
    %mul3A_581 = arith.constant 32 : i32
    %mul3A_582 = vector.broadcast %mul3A_581 : i32 to vector<16xi32>
    %mul3A_583 = arith.muli %mul3A_582, %sub3A_580 : vector<16xi32>
    %add3A_584 = arith.constant 16 : i32
    %add3A_585 = vector.broadcast %add3A_584 : i32 to vector<16xi32>
    %add3A_586 = arith.addi %add3A_585, %mul3A_583 : vector<16xi32>
    %gather3A_587 = tpu.vector_load_idx %arg4[%shift_right_logical3A_566, %shift_right_logical3A_576, %sub3A, %add3A_586] : memref<16x7x1x224xf32, #tpu.memory_space<vmem>>[vector<16xi32>, vector<16xi32>, vector<16xi32>, vector<16xi32>], vector<16xf32>,
    %swap3A_588 = arith.constant 272 : index
    %swap3A_589 = tpu.vector_load %arg5[%swap3A_588] {strides = array<i32>} : memref<784xf32, #tpu.memory_space<vmem>>, vector<16xf32>,
    tpu.vector_store %arg5[%swap3A_588], %gather3A_587 {strides = array<i32>} : memref<784xf32, #tpu.memory_space<vmem>>, vector<16xf32>,
    %add3A_590 = arith.constant 288 : i32
    %add3A_591 = vector.broadcast %add3A_590 : i32 to vector<16xi32>
    %add3A_592 = arith.addi %iota3A, %add3A_591 : vector<16xi32>
    %mul3A_593 = arith.constant 5350 : i32
    %mul3A_594 = vector.broadcast %mul3A_593 : i32 to vector<16xi32>
    %mul3A_595 = arith.muli %add3A_592, %mul3A_594 : vector<16xi32>
    %shift_right_logical3A_596 = arith.constant 18 : i32
    %shift_right_logical3A_597 = vector.broadcast %shift_right_logical3A_596 : i32 to vector<16xi32>
    %shift_right_logical3A_598 = arith.shrui %mul3A_595, %shift_right_logical3A_597 : vector<16xi32>
    %mul3A_599 = arith.constant 49 : i32
    %mul3A_600 = vector.broadcast %mul3A_599 : i32 to vector<16xi32>
    %mul3A_601 = arith.muli %mul3A_600, %shift_right_logical3A_598 : vector<16xi32>
    %sub3A_602 = arith.subi %add3A_592, %mul3A_601 : vector<16xi32>
    %mul3A_603 = arith.constant 37450 : i32
    %mul3A_604 = vector.broadcast %mul3A_603 : i32 to vector<16xi32>
    %mul3A_605 = arith.muli %sub3A_602, %mul3A_604 : vector<16xi32>
    %shift_right_logical3A_606 = arith.constant 18 : i32
    %shift_right_logical3A_607 = vector.broadcast %shift_right_logical3A_606 : i32 to vector<16xi32>
    %shift_right_logical3A_608 = arith.shrui %mul3A_605, %shift_right_logical3A_607 : vector<16xi32>
    %mul3A_609 = arith.constant 7 : i32
    %mul3A_610 = vector.broadcast %mul3A_609 : i32 to vector<16xi32>
    %mul3A_611 = arith.muli %mul3A_610, %shift_right_logical3A_608 : vector<16xi32>
    %sub3A_612 = arith.subi %sub3A_602, %mul3A_611 : vector<16xi32>
    %mul3A_613 = arith.constant 32 : i32
    %mul3A_614 = vector.broadcast %mul3A_613 : i32 to vector<16xi32>
    %mul3A_615 = arith.muli %mul3A_614, %sub3A_612 : vector<16xi32>
    %add3A_616 = arith.constant 16 : i32
    %add3A_617 = vector.broadcast %add3A_616 : i32 to vector<16xi32>
    %add3A_618 = arith.addi %add3A_617, %mul3A_615 : vector<16xi32>
    %gather3A_619 = tpu.vector_load_idx %arg4[%shift_right_logical3A_598, %shift_right_logical3A_608, %sub3A, %add3A_618] : memref<16x7x1x224xf32, #tpu.memory_space<vmem>>[vector<16xi32>, vector<16xi32>, vector<16xi32>, vector<16xi32>], vector<16xf32>,
    %swap3A_620 = arith.constant 288 : index
    %swap3A_621 = tpu.vector_load %arg5[%swap3A_620] {strides = array<i32>} : memref<784xf32, #tpu.memory_space<vmem>>, vector<16xf32>,
    tpu.vector_store %arg5[%swap3A_620], %gather3A_619 {strides = array<i32>} : memref<784xf32, #tpu.memory_space<vmem>>, vector<16xf32>,
    %add3A_622 = arith.constant 304 : i32
    %add3A_623 = vector.broadcast %add3A_622 : i32 to vector<16xi32>
    %add3A_624 = arith.addi %iota3A, %add3A_623 : vector<16xi32>
    %mul3A_625 = arith.constant 5350 : i32
    %mul3A_626 = vector.broadcast %mul3A_625 : i32 to vector<16xi32>
    %mul3A_627 = arith.muli %add3A_624, %mul3A_626 : vector<16xi32>
    %shift_right_logical3A_628 = arith.constant 18 : i32
    %shift_right_logical3A_629 = vector.broadcast %shift_right_logical3A_628 : i32 to vector<16xi32>
    %shift_right_logical3A_630 = arith.shrui %mul3A_627, %shift_right_logical3A_629 : vector<16xi32>
    %mul3A_631 = arith.constant 49 : i32
    %mul3A_632 = vector.broadcast %mul3A_631 : i32 to vector<16xi32>
    %mul3A_633 = arith.muli %mul3A_632, %shift_right_logical3A_630 : vector<16xi32>
    %sub3A_634 = arith.subi %add3A_624, %mul3A_633 : vector<16xi32>
    %mul3A_635 = arith.constant 37450 : i32
    %mul3A_636 = vector.broadcast %mul3A_635 : i32 to vector<16xi32>
    %mul3A_637 = arith.muli %sub3A_634, %mul3A_636 : vector<16xi32>
    %shift_right_logical3A_638 = arith.constant 18 : i32
    %shift_right_logical3A_639 = vector.broadcast %shift_right_logical3A_638 : i32 to vector<16xi32>
    %shift_right_logical3A_640 = arith.shrui %mul3A_637, %shift_right_logical3A_639 : vector<16xi32>
    %mul3A_641 = arith.constant 7 : i32
    %mul3A_642 = vector.broadcast %mul3A_641 : i32 to vector<16xi32>
    %mul3A_643 = arith.muli %mul3A_642, %shift_right_logical3A_640 : vector<16xi32>
    %sub3A_644 = arith.subi %sub3A_634, %mul3A_643 : vector<16xi32>
    %mul3A_645 = arith.constant 32 : i32
    %mul3A_646 = vector.broadcast %mul3A_645 : i32 to vector<16xi32>
    %mul3A_647 = arith.muli %mul3A_646, %sub3A_644 : vector<16xi32>
    %add3A_648 = arith.constant 16 : i32
    %add3A_649 = vector.broadcast %add3A_648 : i32 to vector<16xi32>
    %add3A_650 = arith.addi %add3A_649, %mul3A_647 : vector<16xi32>
    %gather3A_651 = tpu.vector_load_idx %arg4[%shift_right_logical3A_630, %shift_right_logical3A_640, %sub3A, %add3A_650] : memref<16x7x1x224xf32, #tpu.memory_space<vmem>>[vector<16xi32>, vector<16xi32>, vector<16xi32>, vector<16xi32>], vector<16xf32>,
    %swap3A_652 = arith.constant 304 : index
    %swap3A_653 = tpu.vector_load %arg5[%swap3A_652] {strides = array<i32>} : memref<784xf32, #tpu.memory_space<vmem>>, vector<16xf32>,
    tpu.vector_store %arg5[%swap3A_652], %gather3A_651 {strides = array<i32>} : memref<784xf32, #tpu.memory_space<vmem>>, vector<16xf32>,
    %add3A_654 = arith.constant 320 : i32
    %add3A_655 = vector.broadcast %add3A_654 : i32 to vector<16xi32>
    %add3A_656 = arith.addi %iota3A, %add3A_655 : vector<16xi32>
    %mul3A_657 = arith.constant 5350 : i32
    %mul3A_658 = vector.broadcast %mul3A_657 : i32 to vector<16xi32>
    %mul3A_659 = arith.muli %add3A_656, %mul3A_658 : vector<16xi32>
    %shift_right_logical3A_660 = arith.constant 18 : i32
    %shift_right_logical3A_661 = vector.broadcast %shift_right_logical3A_660 : i32 to vector<16xi32>
    %shift_right_logical3A_662 = arith.shrui %mul3A_659, %shift_right_logical3A_661 : vector<16xi32>
    %mul3A_663 = arith.constant 49 : i32
    %mul3A_664 = vector.broadcast %mul3A_663 : i32 to vector<16xi32>
    %mul3A_665 = arith.muli %mul3A_664, %shift_right_logical3A_662 : vector<16xi32>
    %sub3A_666 = arith.subi %add3A_656, %mul3A_665 : vector<16xi32>
    %mul3A_667 = arith.constant 37450 : i32
    %mul3A_668 = vector.broadcast %mul3A_667 : i32 to vector<16xi32>
    %mul3A_669 = arith.muli %sub3A_666, %mul3A_668 : vector<16xi32>
    %shift_right_logical3A_670 = arith.constant 18 : i32
    %shift_right_logical3A_671 = vector.broadcast %shift_right_logical3A_670 : i32 to vector<16xi32>
    %shift_right_logical3A_672 = arith.shrui %mul3A_669, %shift_right_logical3A_671 : vector<16xi32>
    %mul3A_673 = arith.constant 7 : i32
    %mul3A_674 = vector.broadcast %mul3A_673 : i32 to vector<16xi32>
    %mul3A_675 = arith.muli %mul3A_674, %shift_right_logical3A_672 : vector<16xi32>
    %sub3A_676 = arith.subi %sub3A_666, %mul3A_675 : vector<16xi32>
    %mul3A_677 = arith.constant 32 : i32
    %mul3A_678 = vector.broadcast %mul3A_677 : i32 to vector<16xi32>
    %mul3A_679 = arith.muli %mul3A_678, %sub3A_676 : vector<16xi32>
    %add3A_680 = arith.constant 16 : i32
    %add3A_681 = vector.broadcast %add3A_680 : i32 to vector<16xi32>
    %add3A_682 = arith.addi %add3A_681, %mul3A_679 : vector<16xi32>
    %gather3A_683 = tpu.vector_load_idx %arg4[%shift_right_logical3A_662, %shift_right_logical3A_672, %sub3A, %add3A_682] : memref<16x7x1x224xf32, #tpu.memory_space<vmem>>[vector<16xi32>, vector<16xi32>, vector<16xi32>, vector<16xi32>], vector<16xf32>,
    %swap3A_684 = arith.constant 320 : index
    %swap3A_685 = tpu.vector_load %arg5[%swap3A_684] {strides = array<i32>} : memref<784xf32, #tpu.memory_space<vmem>>, vector<16xf32>,
    tpu.vector_store %arg5[%swap3A_684], %gather3A_683 {strides = array<i32>} : memref<784xf32, #tpu.memory_space<vmem>>, vector<16xf32>,
    %add3A_686 = arith.constant 336 : i32
    %add3A_687 = vector.broadcast %add3A_686 : i32 to vector<16xi32>
    %add3A_688 = arith.addi %iota3A, %add3A_687 : vector<16xi32>
    %mul3A_689 = arith.constant 5350 : i32
    %mul3A_690 = vector.broadcast %mul3A_689 : i32 to vector<16xi32>
    %mul3A_691 = arith.muli %add3A_688, %mul3A_690 : vector<16xi32>
    %shift_right_logical3A_692 = arith.constant 18 : i32
    %shift_right_logical3A_693 = vector.broadcast %shift_right_logical3A_692 : i32 to vector<16xi32>
    %shift_right_logical3A_694 = arith.shrui %mul3A_691, %shift_right_logical3A_693 : vector<16xi32>
    %mul3A_695 = arith.constant 49 : i32
    %mul3A_696 = vector.broadcast %mul3A_695 : i32 to vector<16xi32>
    %mul3A_697 = arith.muli %mul3A_696, %shift_right_logical3A_694 : vector<16xi32>
    %sub3A_698 = arith.subi %add3A_688, %mul3A_697 : vector<16xi32>
    %mul3A_699 = arith.constant 37450 : i32
    %mul3A_700 = vector.broadcast %mul3A_699 : i32 to vector<16xi32>
    %mul3A_701 = arith.muli %sub3A_698, %mul3A_700 : vector<16xi32>
    %shift_right_logical3A_702 = arith.constant 18 : i32
    %shift_right_logical3A_703 = vector.broadcast %shift_right_logical3A_702 : i32 to vector<16xi32>
    %shift_right_logical3A_704 = arith.shrui %mul3A_701, %shift_right_logical3A_703 : vector<16xi32>
    %mul3A_705 = arith.constant 7 : i32
    %mul3A_706 = vector.broadcast %mul3A_705 : i32 to vector<16xi32>
    %mul3A_707 = arith.muli %mul3A_706, %shift_right_logical3A_704 : vector<16xi32>
    %sub3A_708 = arith.subi %sub3A_698, %mul3A_707 : vector<16xi32>
    %mul3A_709 = arith.constant 32 : i32
    %mul3A_710 = vector.broadcast %mul3A_709 : i32 to vector<16xi32>
    %mul3A_711 = arith.muli %mul3A_710, %sub3A_708 : vector<16xi32>
    %add3A_712 = arith.constant 16 : i32
    %add3A_713 = vector.broadcast %add3A_712 : i32 to vector<16xi32>
    %add3A_714 = arith.addi %add3A_713, %mul3A_711 : vector<16xi32>
    %gather3A_715 = tpu.vector_load_idx %arg4[%shift_right_logical3A_694, %shift_right_logical3A_704, %sub3A, %add3A_714] : memref<16x7x1x224xf32, #tpu.memory_space<vmem>>[vector<16xi32>, vector<16xi32>, vector<16xi32>, vector<16xi32>], vector<16xf32>,
    %swap3A_716 = arith.constant 336 : index
    %swap3A_717 = tpu.vector_load %arg5[%swap3A_716] {strides = array<i32>} : memref<784xf32, #tpu.memory_space<vmem>>, vector<16xf32>,
    tpu.vector_store %arg5[%swap3A_716], %gather3A_715 {strides = array<i32>} : memref<784xf32, #tpu.memory_space<vmem>>, vector<16xf32>,
    %add3A_718 = arith.constant 352 : i32
    %add3A_719 = vector.broadcast %add3A_718 : i32 to vector<16xi32>
    %add3A_720 = arith.addi %iota3A, %add3A_719 : vector<16xi32>
    %mul3A_721 = arith.constant 5350 : i32
    %mul3A_722 = vector.broadcast %mul3A_721 : i32 to vector<16xi32>
    %mul3A_723 = arith.muli %add3A_720, %mul3A_722 : vector<16xi32>
    %shift_right_logical3A_724 = arith.constant 18 : i32
    %shift_right_logical3A_725 = vector.broadcast %shift_right_logical3A_724 : i32 to vector<16xi32>
    %shift_right_logical3A_726 = arith.shrui %mul3A_723, %shift_right_logical3A_725 : vector<16xi32>
    %mul3A_727 = arith.constant 49 : i32
    %mul3A_728 = vector.broadcast %mul3A_727 : i32 to vector<16xi32>
    %mul3A_729 = arith.muli %mul3A_728, %shift_right_logical3A_726 : vector<16xi32>
    %sub3A_730 = arith.subi %add3A_720, %mul3A_729 : vector<16xi32>
    %mul3A_731 = arith.constant 37450 : i32
    %mul3A_732 = vector.broadcast %mul3A_731 : i32 to vector<16xi32>
    %mul3A_733 = arith.muli %sub3A_730, %mul3A_732 : vector<16xi32>
    %shift_right_logical3A_734 = arith.constant 18 : i32
    %shift_right_logical3A_735 = vector.broadcast %shift_right_logical3A_734 : i32 to vector<16xi32>
    %shift_right_logical3A_736 = arith.shrui %mul3A_733, %shift_right_logical3A_735 : vector<16xi32>
    %mul3A_737 = arith.constant 7 : i32
    %mul3A_738 = vector.broadcast %mul3A_737 : i32 to vector<16xi32>
    %mul3A_739 = arith.muli %mul3A_738, %shift_right_logical3A_736 : vector<16xi32>
    %sub3A_740 = arith.subi %sub3A_730, %mul3A_739 : vector<16xi32>
    %mul3A_741 = arith.constant 32 : i32
    %mul3A_742 = vector.broadcast %mul3A_741 : i32 to vector<16xi32>
    %mul3A_743 = arith.muli %mul3A_742, %sub3A_740 : vector<16xi32>
    %add3A_744 = arith.constant 16 : i32
    %add3A_745 = vector.broadcast %add3A_744 : i32 to vector<16xi32>
    %add3A_746 = arith.addi %add3A_745, %mul3A_743 : vector<16xi32>
    %gather3A_747 = tpu.vector_load_idx %arg4[%shift_right_logical3A_726, %shift_right_logical3A_736, %sub3A, %add3A_746] : memref<16x7x1x224xf32, #tpu.memory_space<vmem>>[vector<16xi32>, vector<16xi32>, vector<16xi32>, vector<16xi32>], vector<16xf32>,
    %swap3A_748 = arith.constant 352 : index
    %swap3A_749 = tpu.vector_load %arg5[%swap3A_748] {strides = array<i32>} : memref<784xf32, #tpu.memory_space<vmem>>, vector<16xf32>,
    tpu.vector_store %arg5[%swap3A_748], %gather3A_747 {strides = array<i32>} : memref<784xf32, #tpu.memory_space<vmem>>, vector<16xf32>,
    %add3A_750 = arith.constant 368 : i32
    %add3A_751 = vector.broadcast %add3A_750 : i32 to vector<16xi32>
    %add3A_752 = arith.addi %iota3A, %add3A_751 : vector<16xi32>
    %mul3A_753 = arith.constant 5350 : i32
    %mul3A_754 = vector.broadcast %mul3A_753 : i32 to vector<16xi32>
    %mul3A_755 = arith.muli %add3A_752, %mul3A_754 : vector<16xi32>
    %shift_right_logical3A_756 = arith.constant 18 : i32
    %shift_right_logical3A_757 = vector.broadcast %shift_right_logical3A_756 : i32 to vector<16xi32>
    %shift_right_logical3A_758 = arith.shrui %mul3A_755, %shift_right_logical3A_757 : vector<16xi32>
    %mul3A_759 = arith.constant 49 : i32
    %mul3A_760 = vector.broadcast %mul3A_759 : i32 to vector<16xi32>
    %mul3A_761 = arith.muli %mul3A_760, %shift_right_logical3A_758 : vector<16xi32>
    %sub3A_762 = arith.subi %add3A_752, %mul3A_761 : vector<16xi32>
    %mul3A_763 = arith.constant 37450 : i32
    %mul3A_764 = vector.broadcast %mul3A_763 : i32 to vector<16xi32>
    %mul3A_765 = arith.muli %sub3A_762, %mul3A_764 : vector<16xi32>
    %shift_right_logical3A_766 = arith.constant 18 : i32
    %shift_right_logical3A_767 = vector.broadcast %shift_right_logical3A_766 : i32 to vector<16xi32>
    %shift_right_logical3A_768 = arith.shrui %mul3A_765, %shift_right_logical3A_767 : vector<16xi32>
    %mul3A_769 = arith.constant 7 : i32
    %mul3A_770 = vector.broadcast %mul3A_769 : i32 to vector<16xi32>
    %mul3A_771 = arith.muli %mul3A_770, %shift_right_logical3A_768 : vector<16xi32>
    %sub3A_772 = arith.subi %sub3A_762, %mul3A_771 : vector<16xi32>
    %mul3A_773 = arith.constant 32 : i32
    %mul3A_774 = vector.broadcast %mul3A_773 : i32 to vector<16xi32>
    %mul3A_775 = arith.muli %mul3A_774, %sub3A_772 : vector<16xi32>
    %add3A_776 = arith.constant 16 : i32
    %add3A_777 = vector.broadcast %add3A_776 : i32 to vector<16xi32>
    %add3A_778 = arith.addi %add3A_777, %mul3A_775 : vector<16xi32>
    %gather3A_779 = tpu.vector_load_idx %arg4[%shift_right_logical3A_758, %shift_right_logical3A_768, %sub3A, %add3A_778] : memref<16x7x1x224xf32, #tpu.memory_space<vmem>>[vector<16xi32>, vector<16xi32>, vector<16xi32>, vector<16xi32>], vector<16xf32>,
    %swap3A_780 = arith.constant 368 : index
    %swap3A_781 = tpu.vector_load %arg5[%swap3A_780] {strides = array<i32>} : memref<784xf32, #tpu.memory_space<vmem>>, vector<16xf32>,
    tpu.vector_store %arg5[%swap3A_780], %gather3A_779 {strides = array<i32>} : memref<784xf32, #tpu.memory_space<vmem>>, vector<16xf32>,
    %add3A_782 = arith.constant 384 : i32
    %add3A_783 = vector.broadcast %add3A_782 : i32 to vector<16xi32>
    %add3A_784 = arith.addi %iota3A, %add3A_783 : vector<16xi32>
    %mul3A_785 = arith.constant 5350 : i32
    %mul3A_786 = vector.broadcast %mul3A_785 : i32 to vector<16xi32>
    %mul3A_787 = arith.muli %add3A_784, %mul3A_786 : vector<16xi32>
    %shift_right_logical3A_788 = arith.constant 18 : i32
    %shift_right_logical3A_789 = vector.broadcast %shift_right_logical3A_788 : i32 to vector<16xi32>
    %shift_right_logical3A_790 = arith.shrui %mul3A_787, %shift_right_logical3A_789 : vector<16xi32>
    %mul3A_791 = arith.constant 49 : i32
    %mul3A_792 = vector.broadcast %mul3A_791 : i32 to vector<16xi32>
    %mul3A_793 = arith.muli %mul3A_792, %shift_right_logical3A_790 : vector<16xi32>
    %sub3A_794 = arith.subi %add3A_784, %mul3A_793 : vector<16xi32>
    %mul3A_795 = arith.constant 37450 : i32
    %mul3A_796 = vector.broadcast %mul3A_795 : i32 to vector<16xi32>
    %mul3A_797 = arith.muli %sub3A_794, %mul3A_796 : vector<16xi32>
    %shift_right_logical3A_798 = arith.constant 18 : i32
    %shift_right_logical3A_799 = vector.broadcast %shift_right_logical3A_798 : i32 to vector<16xi32>
    %shift_right_logical3A_800 = arith.shrui %mul3A_797, %shift_right_logical3A_799 : vector<16xi32>
    %mul3A_801 = arith.constant 7 : i32
    %mul3A_802 = vector.broadcast %mul3A_801 : i32 to vector<16xi32>
    %mul3A_803 = arith.muli %mul3A_802, %shift_right_logical3A_800 : vector<16xi32>
    %sub3A_804 = arith.subi %sub3A_794, %mul3A_803 : vector<16xi32>
    %mul3A_805 = arith.constant 32 : i32
    %mul3A_806 = vector.broadcast %mul3A_805 : i32 to vector<16xi32>
    %mul3A_807 = arith.muli %mul3A_806, %sub3A_804 : vector<16xi32>
    %add3A_808 = arith.constant 16 : i32
    %add3A_809 = vector.broadcast %add3A_808 : i32 to vector<16xi32>
    %add3A_810 = arith.addi %add3A_809, %mul3A_807 : vector<16xi32>
    %gather3A_811 = tpu.vector_load_idx %arg4[%shift_right_logical3A_790, %shift_right_logical3A_800, %sub3A, %add3A_810] : memref<16x7x1x224xf32, #tpu.memory_space<vmem>>[vector<16xi32>, vector<16xi32>, vector<16xi32>, vector<16xi32>], vector<16xf32>,
    %swap3A_812 = arith.constant 384 : index
    %swap3A_813 = tpu.vector_load %arg5[%swap3A_812] {strides = array<i32>} : memref<784xf32, #tpu.memory_space<vmem>>, vector<16xf32>,
    tpu.vector_store %arg5[%swap3A_812], %gather3A_811 {strides = array<i32>} : memref<784xf32, #tpu.memory_space<vmem>>, vector<16xf32>,
    %add3A_814 = arith.constant 400 : i32
    %add3A_815 = vector.broadcast %add3A_814 : i32 to vector<16xi32>
    %add3A_816 = arith.addi %iota3A, %add3A_815 : vector<16xi32>
    %mul3A_817 = arith.constant 5350 : i32
    %mul3A_818 = vector.broadcast %mul3A_817 : i32 to vector<16xi32>
    %mul3A_819 = arith.muli %add3A_816, %mul3A_818 : vector<16xi32>
    %shift_right_logical3A_820 = arith.constant 18 : i32
    %shift_right_logical3A_821 = vector.broadcast %shift_right_logical3A_820 : i32 to vector<16xi32>
    %shift_right_logical3A_822 = arith.shrui %mul3A_819, %shift_right_logical3A_821 : vector<16xi32>
    %mul3A_823 = arith.constant 49 : i32
    %mul3A_824 = vector.broadcast %mul3A_823 : i32 to vector<16xi32>
    %mul3A_825 = arith.muli %mul3A_824, %shift_right_logical3A_822 : vector<16xi32>
    %sub3A_826 = arith.subi %add3A_816, %mul3A_825 : vector<16xi32>
    %mul3A_827 = arith.constant 37450 : i32
    %mul3A_828 = vector.broadcast %mul3A_827 : i32 to vector<16xi32>
    %mul3A_829 = arith.muli %sub3A_826, %mul3A_828 : vector<16xi32>
    %shift_right_logical3A_830 = arith.constant 18 : i32
    %shift_right_logical3A_831 = vector.broadcast %shift_right_logical3A_830 : i32 to vector<16xi32>
    %shift_right_logical3A_832 = arith.shrui %mul3A_829, %shift_right_logical3A_831 : vector<16xi32>
    %mul3A_833 = arith.constant 7 : i32
    %mul3A_834 = vector.broadcast %mul3A_833 : i32 to vector<16xi32>
    %mul3A_835 = arith.muli %mul3A_834, %shift_right_logical3A_832 : vector<16xi32>
    %sub3A_836 = arith.subi %sub3A_826, %mul3A_835 : vector<16xi32>
    %mul3A_837 = arith.constant 32 : i32
    %mul3A_838 = vector.broadcast %mul3A_837 : i32 to vector<16xi32>
    %mul3A_839 = arith.muli %mul3A_838, %sub3A_836 : vector<16xi32>
    %add3A_840 = arith.constant 16 : i32
    %add3A_841 = vector.broadcast %add3A_840 : i32 to vector<16xi32>
    %add3A_842 = arith.addi %add3A_841, %mul3A_839 : vector<16xi32>
    %gather3A_843 = tpu.vector_load_idx %arg4[%shift_right_logical3A_822, %shift_right_logical3A_832, %sub3A, %add3A_842] : memref<16x7x1x224xf32, #tpu.memory_space<vmem>>[vector<16xi32>, vector<16xi32>, vector<16xi32>, vector<16xi32>], vector<16xf32>,
    %swap3A_844 = arith.constant 400 : index
    %swap3A_845 = tpu.vector_load %arg5[%swap3A_844] {strides = array<i32>} : memref<784xf32, #tpu.memory_space<vmem>>, vector<16xf32>,
    tpu.vector_store %arg5[%swap3A_844], %gather3A_843 {strides = array<i32>} : memref<784xf32, #tpu.memory_space<vmem>>, vector<16xf32>,
    %add3A_846 = arith.constant 416 : i32
    %add3A_847 = vector.broadcast %add3A_846 : i32 to vector<16xi32>
    %add3A_848 = arith.addi %iota3A, %add3A_847 : vector<16xi32>
    %mul3A_849 = arith.constant 5350 : i32
    %mul3A_850 = vector.broadcast %mul3A_849 : i32 to vector<16xi32>
    %mul3A_851 = arith.muli %add3A_848, %mul3A_850 : vector<16xi32>
    %shift_right_logical3A_852 = arith.constant 18 : i32
    %shift_right_logical3A_853 = vector.broadcast %shift_right_logical3A_852 : i32 to vector<16xi32>
    %shift_right_logical3A_854 = arith.shrui %mul3A_851, %shift_right_logical3A_853 : vector<16xi32>
    %mul3A_855 = arith.constant 49 : i32
    %mul3A_856 = vector.broadcast %mul3A_855 : i32 to vector<16xi32>
    %mul3A_857 = arith.muli %mul3A_856, %shift_right_logical3A_854 : vector<16xi32>
    %sub3A_858 = arith.subi %add3A_848, %mul3A_857 : vector<16xi32>
    %mul3A_859 = arith.constant 37450 : i32
    %mul3A_860 = vector.broadcast %mul3A_859 : i32 to vector<16xi32>
    %mul3A_861 = arith.muli %sub3A_858, %mul3A_860 : vector<16xi32>
    %shift_right_logical3A_862 = arith.constant 18 : i32
    %shift_right_logical3A_863 = vector.broadcast %shift_right_logical3A_862 : i32 to vector<16xi32>
    %shift_right_logical3A_864 = arith.shrui %mul3A_861, %shift_right_logical3A_863 : vector<16xi32>
    %mul3A_865 = arith.constant 7 : i32
    %mul3A_866 = vector.broadcast %mul3A_865 : i32 to vector<16xi32>
    %mul3A_867 = arith.muli %mul3A_866, %shift_right_logical3A_864 : vector<16xi32>
    %sub3A_868 = arith.subi %sub3A_858, %mul3A_867 : vector<16xi32>
    %mul3A_869 = arith.constant 32 : i32
    %mul3A_870 = vector.broadcast %mul3A_869 : i32 to vector<16xi32>
    %mul3A_871 = arith.muli %mul3A_870, %sub3A_868 : vector<16xi32>
    %add3A_872 = arith.constant 16 : i32
    %add3A_873 = vector.broadcast %add3A_872 : i32 to vector<16xi32>
    %add3A_874 = arith.addi %add3A_873, %mul3A_871 : vector<16xi32>
    %gather3A_875 = tpu.vector_load_idx %arg4[%shift_right_logical3A_854, %shift_right_logical3A_864, %sub3A, %add3A_874] : memref<16x7x1x224xf32, #tpu.memory_space<vmem>>[vector<16xi32>, vector<16xi32>, vector<16xi32>, vector<16xi32>], vector<16xf32>,
    %swap3A_876 = arith.constant 416 : index
    %swap3A_877 = tpu.vector_load %arg5[%swap3A_876] {strides = array<i32>} : memref<784xf32, #tpu.memory_space<vmem>>, vector<16xf32>,
    tpu.vector_store %arg5[%swap3A_876], %gather3A_875 {strides = array<i32>} : memref<784xf32, #tpu.memory_space<vmem>>, vector<16xf32>,
    %add3A_878 = arith.constant 432 : i32
    %add3A_879 = vector.broadcast %add3A_878 : i32 to vector<16xi32>
    %add3A_880 = arith.addi %iota3A, %add3A_879 : vector<16xi32>
    %mul3A_881 = arith.constant 5350 : i32
    %mul3A_882 = vector.broadcast %mul3A_881 : i32 to vector<16xi32>
    %mul3A_883 = arith.muli %add3A_880, %mul3A_882 : vector<16xi32>
    %shift_right_logical3A_884 = arith.constant 18 : i32
    %shift_right_logical3A_885 = vector.broadcast %shift_right_logical3A_884 : i32 to vector<16xi32>
    %shift_right_logical3A_886 = arith.shrui %mul3A_883, %shift_right_logical3A_885 : vector<16xi32>
    %mul3A_887 = arith.constant 49 : i32
    %mul3A_888 = vector.broadcast %mul3A_887 : i32 to vector<16xi32>
    %mul3A_889 = arith.muli %mul3A_888, %shift_right_logical3A_886 : vector<16xi32>
    %sub3A_890 = arith.subi %add3A_880, %mul3A_889 : vector<16xi32>
    %mul3A_891 = arith.constant 37450 : i32
    %mul3A_892 = vector.broadcast %mul3A_891 : i32 to vector<16xi32>
    %mul3A_893 = arith.muli %sub3A_890, %mul3A_892 : vector<16xi32>
    %shift_right_logical3A_894 = arith.constant 18 : i32
    %shift_right_logical3A_895 = vector.broadcast %shift_right_logical3A_894 : i32 to vector<16xi32>
    %shift_right_logical3A_896 = arith.shrui %mul3A_893, %shift_right_logical3A_895 : vector<16xi32>
    %mul3A_897 = arith.constant 7 : i32
    %mul3A_898 = vector.broadcast %mul3A_897 : i32 to vector<16xi32>
    %mul3A_899 = arith.muli %mul3A_898, %shift_right_logical3A_896 : vector<16xi32>
    %sub3A_900 = arith.subi %sub3A_890, %mul3A_899 : vector<16xi32>
    %mul3A_901 = arith.constant 32 : i32
    %mul3A_902 = vector.broadcast %mul3A_901 : i32 to vector<16xi32>
    %mul3A_903 = arith.muli %mul3A_902, %sub3A_900 : vector<16xi32>
    %add3A_904 = arith.constant 16 : i32
    %add3A_905 = vector.broadcast %add3A_904 : i32 to vector<16xi32>
    %add3A_906 = arith.addi %add3A_905, %mul3A_903 : vector<16xi32>
    %gather3A_907 = tpu.vector_load_idx %arg4[%shift_right_logical3A_886, %shift_right_logical3A_896, %sub3A, %add3A_906] : memref<16x7x1x224xf32, #tpu.memory_space<vmem>>[vector<16xi32>, vector<16xi32>, vector<16xi32>, vector<16xi32>], vector<16xf32>,
    %swap3A_908 = arith.constant 432 : index
    %swap3A_909 = tpu.vector_load %arg5[%swap3A_908] {strides = array<i32>} : memref<784xf32, #tpu.memory_space<vmem>>, vector<16xf32>,
    tpu.vector_store %arg5[%swap3A_908], %gather3A_907 {strides = array<i32>} : memref<784xf32, #tpu.memory_space<vmem>>, vector<16xf32>,
    %add3A_910 = arith.constant 448 : i32
    %add3A_911 = vector.broadcast %add3A_910 : i32 to vector<16xi32>
    %add3A_912 = arith.addi %iota3A, %add3A_911 : vector<16xi32>
    %mul3A_913 = arith.constant 5350 : i32
    %mul3A_914 = vector.broadcast %mul3A_913 : i32 to vector<16xi32>
    %mul3A_915 = arith.muli %add3A_912, %mul3A_914 : vector<16xi32>
    %shift_right_logical3A_916 = arith.constant 18 : i32
    %shift_right_logical3A_917 = vector.broadcast %shift_right_logical3A_916 : i32 to vector<16xi32>
    %shift_right_logical3A_918 = arith.shrui %mul3A_915, %shift_right_logical3A_917 : vector<16xi32>
    %mul3A_919 = arith.constant 49 : i32
    %mul3A_920 = vector.broadcast %mul3A_919 : i32 to vector<16xi32>
    %mul3A_921 = arith.muli %mul3A_920, %shift_right_logical3A_918 : vector<16xi32>
    %sub3A_922 = arith.subi %add3A_912, %mul3A_921 : vector<16xi32>
    %mul3A_923 = arith.constant 37450 : i32
    %mul3A_924 = vector.broadcast %mul3A_923 : i32 to vector<16xi32>
    %mul3A_925 = arith.muli %sub3A_922, %mul3A_924 : vector<16xi32>
    %shift_right_logical3A_926 = arith.constant 18 : i32
    %shift_right_logical3A_927 = vector.broadcast %shift_right_logical3A_926 : i32 to vector<16xi32>
    %shift_right_logical3A_928 = arith.shrui %mul3A_925, %shift_right_logical3A_927 : vector<16xi32>
    %mul3A_929 = arith.constant 7 : i32
    %mul3A_930 = vector.broadcast %mul3A_929 : i32 to vector<16xi32>
    %mul3A_931 = arith.muli %mul3A_930, %shift_right_logical3A_928 : vector<16xi32>
    %sub3A_932 = arith.subi %sub3A_922, %mul3A_931 : vector<16xi32>
    %mul3A_933 = arith.constant 32 : i32
    %mul3A_934 = vector.broadcast %mul3A_933 : i32 to vector<16xi32>
    %mul3A_935 = arith.muli %mul3A_934, %sub3A_932 : vector<16xi32>
    %add3A_936 = arith.constant 16 : i32
    %add3A_937 = vector.broadcast %add3A_936 : i32 to vector<16xi32>
    %add3A_938 = arith.addi %add3A_937, %mul3A_935 : vector<16xi32>
    %gather3A_939 = tpu.vector_load_idx %arg4[%shift_right_logical3A_918, %shift_right_logical3A_928, %sub3A, %add3A_938] : memref<16x7x1x224xf32, #tpu.memory_space<vmem>>[vector<16xi32>, vector<16xi32>, vector<16xi32>, vector<16xi32>], vector<16xf32>,
    %swap3A_940 = arith.constant 448 : index
    %swap3A_941 = tpu.vector_load %arg5[%swap3A_940] {strides = array<i32>} : memref<784xf32, #tpu.memory_space<vmem>>, vector<16xf32>,
    tpu.vector_store %arg5[%swap3A_940], %gather3A_939 {strides = array<i32>} : memref<784xf32, #tpu.memory_space<vmem>>, vector<16xf32>,
    %add3A_942 = arith.constant 464 : i32
    %add3A_943 = vector.broadcast %add3A_942 : i32 to vector<16xi32>
    %add3A_944 = arith.addi %iota3A, %add3A_943 : vector<16xi32>
    %mul3A_945 = arith.constant 5350 : i32
    %mul3A_946 = vector.broadcast %mul3A_945 : i32 to vector<16xi32>
    %mul3A_947 = arith.muli %add3A_944, %mul3A_946 : vector<16xi32>
    %shift_right_logical3A_948 = arith.constant 18 : i32
    %shift_right_logical3A_949 = vector.broadcast %shift_right_logical3A_948 : i32 to vector<16xi32>
    %shift_right_logical3A_950 = arith.shrui %mul3A_947, %shift_right_logical3A_949 : vector<16xi32>
    %mul3A_951 = arith.constant 49 : i32
    %mul3A_952 = vector.broadcast %mul3A_951 : i32 to vector<16xi32>
    %mul3A_953 = arith.muli %mul3A_952, %shift_right_logical3A_950 : vector<16xi32>
    %sub3A_954 = arith.subi %add3A_944, %mul3A_953 : vector<16xi32>
    %mul3A_955 = arith.constant 37450 : i32
    %mul3A_956 = vector.broadcast %mul3A_955 : i32 to vector<16xi32>
    %mul3A_957 = arith.muli %sub3A_954, %mul3A_956 : vector<16xi32>
    %shift_right_logical3A_958 = arith.constant 18 : i32
    %shift_right_logical3A_959 = vector.broadcast %shift_right_logical3A_958 : i32 to vector<16xi32>
    %shift_right_logical3A_960 = arith.shrui %mul3A_957, %shift_right_logical3A_959 : vector<16xi32>
    %mul3A_961 = arith.constant 7 : i32
    %mul3A_962 = vector.broadcast %mul3A_961 : i32 to vector<16xi32>
    %mul3A_963 = arith.muli %mul3A_962, %shift_right_logical3A_960 : vector<16xi32>
    %sub3A_964 = arith.subi %sub3A_954, %mul3A_963 : vector<16xi32>
    %mul3A_965 = arith.constant 32 : i32
    %mul3A_966 = vector.broadcast %mul3A_965 : i32 to vector<16xi32>
    %mul3A_967 = arith.muli %mul3A_966, %sub3A_964 : vector<16xi32>
    %add3A_968 = arith.constant 16 : i32
    %add3A_969 = vector.broadcast %add3A_968 : i32 to vector<16xi32>
    %add3A_970 = arith.addi %add3A_969, %mul3A_967 : vector<16xi32>
    %gather3A_971 = tpu.vector_load_idx %arg4[%shift_right_logical3A_950, %shift_right_logical3A_960, %sub3A, %add3A_970] : memref<16x7x1x224xf32, #tpu.memory_space<vmem>>[vector<16xi32>, vector<16xi32>, vector<16xi32>, vector<16xi32>], vector<16xf32>,
    %swap3A_972 = arith.constant 464 : index
    %swap3A_973 = tpu.vector_load %arg5[%swap3A_972] {strides = array<i32>} : memref<784xf32, #tpu.memory_space<vmem>>, vector<16xf32>,
    tpu.vector_store %arg5[%swap3A_972], %gather3A_971 {strides = array<i32>} : memref<784xf32, #tpu.memory_space<vmem>>, vector<16xf32>,
    %add3A_974 = arith.constant 480 : i32
    %add3A_975 = vector.broadcast %add3A_974 : i32 to vector<16xi32>
    %add3A_976 = arith.addi %iota3A, %add3A_975 : vector<16xi32>
    %mul3A_977 = arith.constant 5350 : i32
    %mul3A_978 = vector.broadcast %mul3A_977 : i32 to vector<16xi32>
    %mul3A_979 = arith.muli %add3A_976, %mul3A_978 : vector<16xi32>
    %shift_right_logical3A_980 = arith.constant 18 : i32
    %shift_right_logical3A_981 = vector.broadcast %shift_right_logical3A_980 : i32 to vector<16xi32>
    %shift_right_logical3A_982 = arith.shrui %mul3A_979, %shift_right_logical3A_981 : vector<16xi32>
    %mul3A_983 = arith.constant 49 : i32
    %mul3A_984 = vector.broadcast %mul3A_983 : i32 to vector<16xi32>
    %mul3A_985 = arith.muli %mul3A_984, %shift_right_logical3A_982 : vector<16xi32>
    %sub3A_986 = arith.subi %add3A_976, %mul3A_985 : vector<16xi32>
    %mul3A_987 = arith.constant 37450 : i32
    %mul3A_988 = vector.broadcast %mul3A_987 : i32 to vector<16xi32>
    %mul3A_989 = arith.muli %sub3A_986, %mul3A_988 : vector<16xi32>
    %shift_right_logical3A_990 = arith.constant 18 : i32
    %shift_right_logical3A_991 = vector.broadcast %shift_right_logical3A_990 : i32 to vector<16xi32>
    %shift_right_logical3A_992 = arith.shrui %mul3A_989, %shift_right_logical3A_991 : vector<16xi32>
    %mul3A_993 = arith.constant 7 : i32
    %mul3A_994 = vector.broadcast %mul3A_993 : i32 to vector<16xi32>
    %mul3A_995 = arith.muli %mul3A_994, %shift_right_logical3A_992 : vector<16xi32>
    %sub3A_996 = arith.subi %sub3A_986, %mul3A_995 : vector<16xi32>
    %mul3A_997 = arith.constant 32 : i32
    %mul3A_998 = vector.broadcast %mul3A_997 : i32 to vector<16xi32>
    %mul3A_999 = arith.muli %mul3A_998, %sub3A_996 : vector<16xi32>
    %add3A_1000 = arith.constant 16 : i32
    %add3A_1001 = vector.broadcast %add3A_1000 : i32 to vector<16xi32>
    %add3A_1002 = arith.addi %add3A_1001, %mul3A_999 : vector<16xi32>
    %gather3A_1003 = tpu.vector_load_idx %arg4[%shift_right_logical3A_982, %shift_right_logical3A_992, %sub3A, %add3A_1002] : memref<16x7x1x224xf32, #tpu.memory_space<vmem>>[vector<16xi32>, vector<16xi32>, vector<16xi32>, vector<16xi32>], vector<16xf32>,
    %swap3A_1004 = arith.constant 480 : index
    %swap3A_1005 = tpu.vector_load %arg5[%swap3A_1004] {strides = array<i32>} : memref<784xf32, #tpu.memory_space<vmem>>, vector<16xf32>,
    tpu.vector_store %arg5[%swap3A_1004], %gather3A_1003 {strides = array<i32>} : memref<784xf32, #tpu.memory_space<vmem>>, vector<16xf32>,
    %add3A_1006 = arith.constant 496 : i32
    %add3A_1007 = vector.broadcast %add3A_1006 : i32 to vector<16xi32>
    %add3A_1008 = arith.addi %iota3A, %add3A_1007 : vector<16xi32>
    %mul3A_1009 = arith.constant 5350 : i32
    %mul3A_1010 = vector.broadcast %mul3A_1009 : i32 to vector<16xi32>
    %mul3A_1011 = arith.muli %add3A_1008, %mul3A_1010 : vector<16xi32>
    %shift_right_logical3A_1012 = arith.constant 18 : i32
    %shift_right_logical3A_1013 = vector.broadcast %shift_right_logical3A_1012 : i32 to vector<16xi32>
    %shift_right_logical3A_1014 = arith.shrui %mul3A_1011, %shift_right_logical3A_1013 : vector<16xi32>
    %mul3A_1015 = arith.constant 49 : i32
    %mul3A_1016 = vector.broadcast %mul3A_1015 : i32 to vector<16xi32>
    %mul3A_1017 = arith.muli %mul3A_1016, %shift_right_logical3A_1014 : vector<16xi32>
    %sub3A_1018 = arith.subi %add3A_1008, %mul3A_1017 : vector<16xi32>
    %mul3A_1019 = arith.constant 37450 : i32
    %mul3A_1020 = vector.broadcast %mul3A_1019 : i32 to vector<16xi32>
    %mul3A_1021 = arith.muli %sub3A_1018, %mul3A_1020 : vector<16xi32>
    %shift_right_logical3A_1022 = arith.constant 18 : i32
    %shift_right_logical3A_1023 = vector.broadcast %shift_right_logical3A_1022 : i32 to vector<16xi32>
    %shift_right_logical3A_1024 = arith.shrui %mul3A_1021, %shift_right_logical3A_1023 : vector<16xi32>
    %mul3A_1025 = arith.constant 7 : i32
    %mul3A_1026 = vector.broadcast %mul3A_1025 : i32 to vector<16xi32>
    %mul3A_1027 = arith.muli %mul3A_1026, %shift_right_logical3A_1024 : vector<16xi32>
    %sub3A_1028 = arith.subi %sub3A_1018, %mul3A_1027 : vector<16xi32>
    %mul3A_1029 = arith.constant 32 : i32
    %mul3A_1030 = vector.broadcast %mul3A_1029 : i32 to vector<16xi32>
    %mul3A_1031 = arith.muli %mul3A_1030, %sub3A_1028 : vector<16xi32>
    %add3A_1032 = arith.constant 16 : i32
    %add3A_1033 = vector.broadcast %add3A_1032 : i32 to vector<16xi32>
    %add3A_1034 = arith.addi %add3A_1033, %mul3A_1031 : vector<16xi32>
    %gather3A_1035 = tpu.vector_load_idx %arg4[%shift_right_logical3A_1014, %shift_right_logical3A_1024, %sub3A, %add3A_1034] : memref<16x7x1x224xf32, #tpu.memory_space<vmem>>[vector<16xi32>, vector<16xi32>, vector<16xi32>, vector<16xi32>], vector<16xf32>,
    %swap3A_1036 = arith.constant 496 : index
    %swap3A_1037 = tpu.vector_load %arg5[%swap3A_1036] {strides = array<i32>} : memref<784xf32, #tpu.memory_space<vmem>>, vector<16xf32>,
    tpu.vector_store %arg5[%swap3A_1036], %gather3A_1035 {strides = array<i32>} : memref<784xf32, #tpu.memory_space<vmem>>, vector<16xf32>,
    %add3A_1038 = arith.constant 512 : i32
    %add3A_1039 = vector.broadcast %add3A_1038 : i32 to vector<16xi32>
    %add3A_1040 = arith.addi %iota3A, %add3A_1039 : vector<16xi32>
    %mul3A_1041 = arith.constant 5350 : i32
    %mul3A_1042 = vector.broadcast %mul3A_1041 : i32 to vector<16xi32>
    %mul3A_1043 = arith.muli %add3A_1040, %mul3A_1042 : vector<16xi32>
    %shift_right_logical3A_1044 = arith.constant 18 : i32
    %shift_right_logical3A_1045 = vector.broadcast %shift_right_logical3A_1044 : i32 to vector<16xi32>
    %shift_right_logical3A_1046 = arith.shrui %mul3A_1043, %shift_right_logical3A_1045 : vector<16xi32>
    %mul3A_1047 = arith.constant 49 : i32
    %mul3A_1048 = vector.broadcast %mul3A_1047 : i32 to vector<16xi32>
    %mul3A_1049 = arith.muli %mul3A_1048, %shift_right_logical3A_1046 : vector<16xi32>
    %sub3A_1050 = arith.subi %add3A_1040, %mul3A_1049 : vector<16xi32>
    %mul3A_1051 = arith.constant 37450 : i32
    %mul3A_1052 = vector.broadcast %mul3A_1051 : i32 to vector<16xi32>
    %mul3A_1053 = arith.muli %sub3A_1050, %mul3A_1052 : vector<16xi32>
    %shift_right_logical3A_1054 = arith.constant 18 : i32
    %shift_right_logical3A_1055 = vector.broadcast %shift_right_logical3A_1054 : i32 to vector<16xi32>
    %shift_right_logical3A_1056 = arith.shrui %mul3A_1053, %shift_right_logical3A_1055 : vector<16xi32>
    %mul3A_1057 = arith.constant 7 : i32
    %mul3A_1058 = vector.broadcast %mul3A_1057 : i32 to vector<16xi32>
    %mul3A_1059 = arith.muli %mul3A_1058, %shift_right_logical3A_1056 : vector<16xi32>
    %sub3A_1060 = arith.subi %sub3A_1050, %mul3A_1059 : vector<16xi32>
    %mul3A_1061 = arith.constant 32 : i32
    %mul3A_1062 = vector.broadcast %mul3A_1061 : i32 to vector<16xi32>
    %mul3A_1063 = arith.muli %mul3A_1062, %sub3A_1060 : vector<16xi32>
    %add3A_1064 = arith.constant 16 : i32
    %add3A_1065 = vector.broadcast %add3A_1064 : i32 to vector<16xi32>
    %add3A_1066 = arith.addi %add3A_1065, %mul3A_1063 : vector<16xi32>
    %gather3A_1067 = tpu.vector_load_idx %arg4[%shift_right_logical3A_1046, %shift_right_logical3A_1056, %sub3A, %add3A_1066] : memref<16x7x1x224xf32, #tpu.memory_space<vmem>>[vector<16xi32>, vector<16xi32>, vector<16xi32>, vector<16xi32>], vector<16xf32>,
    %swap3A_1068 = arith.constant 512 : index
    %swap3A_1069 = tpu.vector_load %arg5[%swap3A_1068] {strides = array<i32>} : memref<784xf32, #tpu.memory_space<vmem>>, vector<16xf32>,
    tpu.vector_store %arg5[%swap3A_1068], %gather3A_1067 {strides = array<i32>} : memref<784xf32, #tpu.memory_space<vmem>>, vector<16xf32>,
    %add3A_1070 = arith.constant 528 : i32
    %add3A_1071 = vector.broadcast %add3A_1070 : i32 to vector<16xi32>
    %add3A_1072 = arith.addi %iota3A, %add3A_1071 : vector<16xi32>
    %mul3A_1073 = arith.constant 5350 : i32
    %mul3A_1074 = vector.broadcast %mul3A_1073 : i32 to vector<16xi32>
    %mul3A_1075 = arith.muli %add3A_1072, %mul3A_1074 : vector<16xi32>
    %shift_right_logical3A_1076 = arith.constant 18 : i32
    %shift_right_logical3A_1077 = vector.broadcast %shift_right_logical3A_1076 : i32 to vector<16xi32>
    %shift_right_logical3A_1078 = arith.shrui %mul3A_1075, %shift_right_logical3A_1077 : vector<16xi32>
    %mul3A_1079 = arith.constant 49 : i32
    %mul3A_1080 = vector.broadcast %mul3A_1079 : i32 to vector<16xi32>
    %mul3A_1081 = arith.muli %mul3A_1080, %shift_right_logical3A_1078 : vector<16xi32>
    %sub3A_1082 = arith.subi %add3A_1072, %mul3A_1081 : vector<16xi32>
    %mul3A_1083 = arith.constant 37450 : i32
    %mul3A_1084 = vector.broadcast %mul3A_1083 : i32 to vector<16xi32>
    %mul3A_1085 = arith.muli %sub3A_1082, %mul3A_1084 : vector<16xi32>
    %shift_right_logical3A_1086 = arith.constant 18 : i32
    %shift_right_logical3A_1087 = vector.broadcast %shift_right_logical3A_1086 : i32 to vector<16xi32>
    %shift_right_logical3A_1088 = arith.shrui %mul3A_1085, %shift_right_logical3A_1087 : vector<16xi32>
    %mul3A_1089 = arith.constant 7 : i32
    %mul3A_1090 = vector.broadcast %mul3A_1089 : i32 to vector<16xi32>
    %mul3A_1091 = arith.muli %mul3A_1090, %shift_right_logical3A_1088 : vector<16xi32>
    %sub3A_1092 = arith.subi %sub3A_1082, %mul3A_1091 : vector<16xi32>
    %mul3A_1093 = arith.constant 32 : i32
    %mul3A_1094 = vector.broadcast %mul3A_1093 : i32 to vector<16xi32>
    %mul3A_1095 = arith.muli %mul3A_1094, %sub3A_1092 : vector<16xi32>
    %add3A_1096 = arith.constant 16 : i32
    %add3A_1097 = vector.broadcast %add3A_1096 : i32 to vector<16xi32>
    %add3A_1098 = arith.addi %add3A_1097, %mul3A_1095 : vector<16xi32>
    %gather3A_1099 = tpu.vector_load_idx %arg4[%shift_right_logical3A_1078, %shift_right_logical3A_1088, %sub3A, %add3A_1098] : memref<16x7x1x224xf32, #tpu.memory_space<vmem>>[vector<16xi32>, vector<16xi32>, vector<16xi32>, vector<16xi32>], vector<16xf32>,
    %swap3A_1100 = arith.constant 528 : index
    %swap3A_1101 = tpu.vector_load %arg5[%swap3A_1100] {strides = array<i32>} : memref<784xf32, #tpu.memory_space<vmem>>, vector<16xf32>,
    tpu.vector_store %arg5[%swap3A_1100], %gather3A_1099 {strides = array<i32>} : memref<784xf32, #tpu.memory_space<vmem>>, vector<16xf32>,
    %add3A_1102 = arith.constant 544 : i32
    %add3A_1103 = vector.broadcast %add3A_1102 : i32 to vector<16xi32>
    %add3A_1104 = arith.addi %iota3A, %add3A_1103 : vector<16xi32>
    %mul3A_1105 = arith.constant 5350 : i32
    %mul3A_1106 = vector.broadcast %mul3A_1105 : i32 to vector<16xi32>
    %mul3A_1107 = arith.muli %add3A_1104, %mul3A_1106 : vector<16xi32>
    %shift_right_logical3A_1108 = arith.constant 18 : i32
    %shift_right_logical3A_1109 = vector.broadcast %shift_right_logical3A_1108 : i32 to vector<16xi32>
    %shift_right_logical3A_1110 = arith.shrui %mul3A_1107, %shift_right_logical3A_1109 : vector<16xi32>
    %mul3A_1111 = arith.constant 49 : i32
    %mul3A_1112 = vector.broadcast %mul3A_1111 : i32 to vector<16xi32>
    %mul3A_1113 = arith.muli %mul3A_1112, %shift_right_logical3A_1110 : vector<16xi32>
    %sub3A_1114 = arith.subi %add3A_1104, %mul3A_1113 : vector<16xi32>
    %mul3A_1115 = arith.constant 37450 : i32
    %mul3A_1116 = vector.broadcast %mul3A_1115 : i32 to vector<16xi32>
    %mul3A_1117 = arith.muli %sub3A_1114, %mul3A_1116 : vector<16xi32>
    %shift_right_logical3A_1118 = arith.constant 18 : i32
    %shift_right_logical3A_1119 = vector.broadcast %shift_right_logical3A_1118 : i32 to vector<16xi32>
    %shift_right_logical3A_1120 = arith.shrui %mul3A_1117, %shift_right_logical3A_1119 : vector<16xi32>
    %mul3A_1121 = arith.constant 7 : i32
    %mul3A_1122 = vector.broadcast %mul3A_1121 : i32 to vector<16xi32>
    %mul3A_1123 = arith.muli %mul3A_1122, %shift_right_logical3A_1120 : vector<16xi32>
    %sub3A_1124 = arith.subi %sub3A_1114, %mul3A_1123 : vector<16xi32>
    %mul3A_1125 = arith.constant 32 : i32
    %mul3A_1126 = vector.broadcast %mul3A_1125 : i32 to vector<16xi32>
    %mul3A_1127 = arith.muli %mul3A_1126, %sub3A_1124 : vector<16xi32>
    %add3A_1128 = arith.constant 16 : i32
    %add3A_1129 = vector.broadcast %add3A_1128 : i32 to vector<16xi32>
    %add3A_1130 = arith.addi %add3A_1129, %mul3A_1127 : vector<16xi32>
    %gather3A_1131 = tpu.vector_load_idx %arg4[%shift_right_logical3A_1110, %shift_right_logical3A_1120, %sub3A, %add3A_1130] : memref<16x7x1x224xf32, #tpu.memory_space<vmem>>[vector<16xi32>, vector<16xi32>, vector<16xi32>, vector<16xi32>], vector<16xf32>,
    %swap3A_1132 = arith.constant 544 : index
    %swap3A_1133 = tpu.vector_load %arg5[%swap3A_1132] {strides = array<i32>} : memref<784xf32, #tpu.memory_space<vmem>>, vector<16xf32>,
    tpu.vector_store %arg5[%swap3A_1132], %gather3A_1131 {strides = array<i32>} : memref<784xf32, #tpu.memory_space<vmem>>, vector<16xf32>,
    %add3A_1134 = arith.constant 560 : i32
    %add3A_1135 = vector.broadcast %add3A_1134 : i32 to vector<16xi32>
    %add3A_1136 = arith.addi %iota3A, %add3A_1135 : vector<16xi32>
    %mul3A_1137 = arith.constant 5350 : i32
    %mul3A_1138 = vector.broadcast %mul3A_1137 : i32 to vector<16xi32>
    %mul3A_1139 = arith.muli %add3A_1136, %mul3A_1138 : vector<16xi32>
    %shift_right_logical3A_1140 = arith.constant 18 : i32
    %shift_right_logical3A_1141 = vector.broadcast %shift_right_logical3A_1140 : i32 to vector<16xi32>
    %shift_right_logical3A_1142 = arith.shrui %mul3A_1139, %shift_right_logical3A_1141 : vector<16xi32>
    %mul3A_1143 = arith.constant 49 : i32
    %mul3A_1144 = vector.broadcast %mul3A_1143 : i32 to vector<16xi32>
    %mul3A_1145 = arith.muli %mul3A_1144, %shift_right_logical3A_1142 : vector<16xi32>
    %sub3A_1146 = arith.subi %add3A_1136, %mul3A_1145 : vector<16xi32>
    %mul3A_1147 = arith.constant 37450 : i32
    %mul3A_1148 = vector.broadcast %mul3A_1147 : i32 to vector<16xi32>
    %mul3A_1149 = arith.muli %sub3A_1146, %mul3A_1148 : vector<16xi32>
    %shift_right_logical3A_1150 = arith.constant 18 : i32
    %shift_right_logical3A_1151 = vector.broadcast %shift_right_logical3A_1150 : i32 to vector<16xi32>
    %shift_right_logical3A_1152 = arith.shrui %mul3A_1149, %shift_right_logical3A_1151 : vector<16xi32>
    %mul3A_1153 = arith.constant 7 : i32
    %mul3A_1154 = vector.broadcast %mul3A_1153 : i32 to vector<16xi32>
    %mul3A_1155 = arith.muli %mul3A_1154, %shift_right_logical3A_1152 : vector<16xi32>
    %sub3A_1156 = arith.subi %sub3A_1146, %mul3A_1155 : vector<16xi32>
    %mul3A_1157 = arith.constant 32 : i32
    %mul3A_1158 = vector.broadcast %mul3A_1157 : i32 to vector<16xi32>
    %mul3A_1159 = arith.muli %mul3A_1158, %sub3A_1156 : vector<16xi32>
    %add3A_1160 = arith.constant 16 : i32
    %add3A_1161 = vector.broadcast %add3A_1160 : i32 to vector<16xi32>
    %add3A_1162 = arith.addi %add3A_1161, %mul3A_1159 : vector<16xi32>
    %gather3A_1163 = tpu.vector_load_idx %arg4[%shift_right_logical3A_1142, %shift_right_logical3A_1152, %sub3A, %add3A_1162] : memref<16x7x1x224xf32, #tpu.memory_space<vmem>>[vector<16xi32>, vector<16xi32>, vector<16xi32>, vector<16xi32>], vector<16xf32>,
    %swap3A_1164 = arith.constant 560 : index
    %swap3A_1165 = tpu.vector_load %arg5[%swap3A_1164] {strides = array<i32>} : memref<784xf32, #tpu.memory_space<vmem>>, vector<16xf32>,
    tpu.vector_store %arg5[%swap3A_1164], %gather3A_1163 {strides = array<i32>} : memref<784xf32, #tpu.memory_space<vmem>>, vector<16xf32>,
    %add3A_1166 = arith.constant 576 : i32
    %add3A_1167 = vector.broadcast %add3A_1166 : i32 to vector<16xi32>
    %add3A_1168 = arith.addi %iota3A, %add3A_1167 : vector<16xi32>
    %mul3A_1169 = arith.constant 5350 : i32
    %mul3A_1170 = vector.broadcast %mul3A_1169 : i32 to vector<16xi32>
    %mul3A_1171 = arith.muli %add3A_1168, %mul3A_1170 : vector<16xi32>
    %shift_right_logical3A_1172 = arith.constant 18 : i32
    %shift_right_logical3A_1173 = vector.broadcast %shift_right_logical3A_1172 : i32 to vector<16xi32>
    %shift_right_logical3A_1174 = arith.shrui %mul3A_1171, %shift_right_logical3A_1173 : vector<16xi32>
    %mul3A_1175 = arith.constant 49 : i32
    %mul3A_1176 = vector.broadcast %mul3A_1175 : i32 to vector<16xi32>
    %mul3A_1177 = arith.muli %mul3A_1176, %shift_right_logical3A_1174 : vector<16xi32>
    %sub3A_1178 = arith.subi %add3A_1168, %mul3A_1177 : vector<16xi32>
    %mul3A_1179 = arith.constant 37450 : i32
    %mul3A_1180 = vector.broadcast %mul3A_1179 : i32 to vector<16xi32>
    %mul3A_1181 = arith.muli %sub3A_1178, %mul3A_1180 : vector<16xi32>
    %shift_right_logical3A_1182 = arith.constant 18 : i32
    %shift_right_logical3A_1183 = vector.broadcast %shift_right_logical3A_1182 : i32 to vector<16xi32>
    %shift_right_logical3A_1184 = arith.shrui %mul3A_1181, %shift_right_logical3A_1183 : vector<16xi32>
    %mul3A_1185 = arith.constant 7 : i32
    %mul3A_1186 = vector.broadcast %mul3A_1185 : i32 to vector<16xi32>
    %mul3A_1187 = arith.muli %mul3A_1186, %shift_right_logical3A_1184 : vector<16xi32>
    %sub3A_1188 = arith.subi %sub3A_1178, %mul3A_1187 : vector<16xi32>
    %mul3A_1189 = arith.constant 32 : i32
    %mul3A_1190 = vector.broadcast %mul3A_1189 : i32 to vector<16xi32>
    %mul3A_1191 = arith.muli %mul3A_1190, %sub3A_1188 : vector<16xi32>
    %add3A_1192 = arith.constant 16 : i32
    %add3A_1193 = vector.broadcast %add3A_1192 : i32 to vector<16xi32>
    %add3A_1194 = arith.addi %add3A_1193, %mul3A_1191 : vector<16xi32>
    %gather3A_1195 = tpu.vector_load_idx %arg4[%shift_right_logical3A_1174, %shift_right_logical3A_1184, %sub3A, %add3A_1194] : memref<16x7x1x224xf32, #tpu.memory_space<vmem>>[vector<16xi32>, vector<16xi32>, vector<16xi32>, vector<16xi32>], vector<16xf32>,
    %swap3A_1196 = arith.constant 576 : index
    %swap3A_1197 = tpu.vector_load %arg5[%swap3A_1196] {strides = array<i32>} : memref<784xf32, #tpu.memory_space<vmem>>, vector<16xf32>,
    tpu.vector_store %arg5[%swap3A_1196], %gather3A_1195 {strides = array<i32>} : memref<784xf32, #tpu.memory_space<vmem>>, vector<16xf32>,
    %add3A_1198 = arith.constant 592 : i32
    %add3A_1199 = vector.broadcast %add3A_1198 : i32 to vector<16xi32>
    %add3A_1200 = arith.addi %iota3A, %add3A_1199 : vector<16xi32>
    %mul3A_1201 = arith.constant 5350 : i32
    %mul3A_1202 = vector.broadcast %mul3A_1201 : i32 to vector<16xi32>
    %mul3A_1203 = arith.muli %add3A_1200, %mul3A_1202 : vector<16xi32>
    %shift_right_logical3A_1204 = arith.constant 18 : i32
    %shift_right_logical3A_1205 = vector.broadcast %shift_right_logical3A_1204 : i32 to vector<16xi32>
    %shift_right_logical3A_1206 = arith.shrui %mul3A_1203, %shift_right_logical3A_1205 : vector<16xi32>
    %mul3A_1207 = arith.constant 49 : i32
    %mul3A_1208 = vector.broadcast %mul3A_1207 : i32 to vector<16xi32>
    %mul3A_1209 = arith.muli %mul3A_1208, %shift_right_logical3A_1206 : vector<16xi32>
    %sub3A_1210 = arith.subi %add3A_1200, %mul3A_1209 : vector<16xi32>
    %mul3A_1211 = arith.constant 37450 : i32
    %mul3A_1212 = vector.broadcast %mul3A_1211 : i32 to vector<16xi32>
    %mul3A_1213 = arith.muli %sub3A_1210, %mul3A_1212 : vector<16xi32>
    %shift_right_logical3A_1214 = arith.constant 18 : i32
    %shift_right_logical3A_1215 = vector.broadcast %shift_right_logical3A_1214 : i32 to vector<16xi32>
    %shift_right_logical3A_1216 = arith.shrui %mul3A_1213, %shift_right_logical3A_1215 : vector<16xi32>
    %mul3A_1217 = arith.constant 7 : i32
    %mul3A_1218 = vector.broadcast %mul3A_1217 : i32 to vector<16xi32>
    %mul3A_1219 = arith.muli %mul3A_1218, %shift_right_logical3A_1216 : vector<16xi32>
    %sub3A_1220 = arith.subi %sub3A_1210, %mul3A_1219 : vector<16xi32>
    %mul3A_1221 = arith.constant 32 : i32
    %mul3A_1222 = vector.broadcast %mul3A_1221 : i32 to vector<16xi32>
    %mul3A_1223 = arith.muli %mul3A_1222, %sub3A_1220 : vector<16xi32>
    %add3A_1224 = arith.constant 16 : i32
    %add3A_1225 = vector.broadcast %add3A_1224 : i32 to vector<16xi32>
    %add3A_1226 = arith.addi %add3A_1225, %mul3A_1223 : vector<16xi32>
    %gather3A_1227 = tpu.vector_load_idx %arg4[%shift_right_logical3A_1206, %shift_right_logical3A_1216, %sub3A, %add3A_1226] : memref<16x7x1x224xf32, #tpu.memory_space<vmem>>[vector<16xi32>, vector<16xi32>, vector<16xi32>, vector<16xi32>], vector<16xf32>,
    %swap3A_1228 = arith.constant 592 : index
    %swap3A_1229 = tpu.vector_load %arg5[%swap3A_1228] {strides = array<i32>} : memref<784xf32, #tpu.memory_space<vmem>>, vector<16xf32>,
    tpu.vector_store %arg5[%swap3A_1228], %gather3A_1227 {strides = array<i32>} : memref<784xf32, #tpu.memory_space<vmem>>, vector<16xf32>,
    %add3A_1230 = arith.constant 608 : i32
    %add3A_1231 = vector.broadcast %add3A_1230 : i32 to vector<16xi32>
    %add3A_1232 = arith.addi %iota3A, %add3A_1231 : vector<16xi32>
    %mul3A_1233 = arith.constant 5350 : i32
    %mul3A_1234 = vector.broadcast %mul3A_1233 : i32 to vector<16xi32>
    %mul3A_1235 = arith.muli %add3A_1232, %mul3A_1234 : vector<16xi32>
    %shift_right_logical3A_1236 = arith.constant 18 : i32
    %shift_right_logical3A_1237 = vector.broadcast %shift_right_logical3A_1236 : i32 to vector<16xi32>
    %shift_right_logical3A_1238 = arith.shrui %mul3A_1235, %shift_right_logical3A_1237 : vector<16xi32>
    %mul3A_1239 = arith.constant 49 : i32
    %mul3A_1240 = vector.broadcast %mul3A_1239 : i32 to vector<16xi32>
    %mul3A_1241 = arith.muli %mul3A_1240, %shift_right_logical3A_1238 : vector<16xi32>
    %sub3A_1242 = arith.subi %add3A_1232, %mul3A_1241 : vector<16xi32>
    %mul3A_1243 = arith.constant 37450 : i32
    %mul3A_1244 = vector.broadcast %mul3A_1243 : i32 to vector<16xi32>
    %mul3A_1245 = arith.muli %sub3A_1242, %mul3A_1244 : vector<16xi32>
    %shift_right_logical3A_1246 = arith.constant 18 : i32
    %shift_right_logical3A_1247 = vector.broadcast %shift_right_logical3A_1246 : i32 to vector<16xi32>
    %shift_right_logical3A_1248 = arith.shrui %mul3A_1245, %shift_right_logical3A_1247 : vector<16xi32>
    %mul3A_1249 = arith.constant 7 : i32
    %mul3A_1250 = vector.broadcast %mul3A_1249 : i32 to vector<16xi32>
    %mul3A_1251 = arith.muli %mul3A_1250, %shift_right_logical3A_1248 : vector<16xi32>
    %sub3A_1252 = arith.subi %sub3A_1242, %mul3A_1251 : vector<16xi32>
    %mul3A_1253 = arith.constant 32 : i32
    %mul3A_1254 = vector.broadcast %mul3A_1253 : i32 to vector<16xi32>
    %mul3A_1255 = arith.muli %mul3A_1254, %sub3A_1252 : vector<16xi32>
    %add3A_1256 = arith.constant 16 : i32
    %add3A_1257 = vector.broadcast %add3A_1256 : i32 to vector<16xi32>
    %add3A_1258 = arith.addi %add3A_1257, %mul3A_1255 : vector<16xi32>
    %gather3A_1259 = tpu.vector_load_idx %arg4[%shift_right_logical3A_1238, %shift_right_logical3A_1248, %sub3A, %add3A_1258] : memref<16x7x1x224xf32, #tpu.memory_space<vmem>>[vector<16xi32>, vector<16xi32>, vector<16xi32>, vector<16xi32>], vector<16xf32>,
    %swap3A_1260 = arith.constant 608 : index
    %swap3A_1261 = tpu.vector_load %arg5[%swap3A_1260] {strides = array<i32>} : memref<784xf32, #tpu.memory_space<vmem>>, vector<16xf32>,
    tpu.vector_store %arg5[%swap3A_1260], %gather3A_1259 {strides = array<i32>} : memref<784xf32, #tpu.memory_space<vmem>>, vector<16xf32>,
    %add3A_1262 = arith.constant 624 : i32
    %add3A_1263 = vector.broadcast %add3A_1262 : i32 to vector<16xi32>
    %add3A_1264 = arith.addi %iota3A, %add3A_1263 : vector<16xi32>
    %mul3A_1265 = arith.constant 5350 : i32
    %mul3A_1266 = vector.broadcast %mul3A_1265 : i32 to vector<16xi32>
    %mul3A_1267 = arith.muli %add3A_1264, %mul3A_1266 : vector<16xi32>
    %shift_right_logical3A_1268 = arith.constant 18 : i32
    %shift_right_logical3A_1269 = vector.broadcast %shift_right_logical3A_1268 : i32 to vector<16xi32>
    %shift_right_logical3A_1270 = arith.shrui %mul3A_1267, %shift_right_logical3A_1269 : vector<16xi32>
    %mul3A_1271 = arith.constant 49 : i32
    %mul3A_1272 = vector.broadcast %mul3A_1271 : i32 to vector<16xi32>
    %mul3A_1273 = arith.muli %mul3A_1272, %shift_right_logical3A_1270 : vector<16xi32>
    %sub3A_1274 = arith.subi %add3A_1264, %mul3A_1273 : vector<16xi32>
    %mul3A_1275 = arith.constant 37450 : i32
    %mul3A_1276 = vector.broadcast %mul3A_1275 : i32 to vector<16xi32>
    %mul3A_1277 = arith.muli %sub3A_1274, %mul3A_1276 : vector<16xi32>
    %shift_right_logical3A_1278 = arith.constant 18 : i32
    %shift_right_logical3A_1279 = vector.broadcast %shift_right_logical3A_1278 : i32 to vector<16xi32>
    %shift_right_logical3A_1280 = arith.shrui %mul3A_1277, %shift_right_logical3A_1279 : vector<16xi32>
    %mul3A_1281 = arith.constant 7 : i32
    %mul3A_1282 = vector.broadcast %mul3A_1281 : i32 to vector<16xi32>
    %mul3A_1283 = arith.muli %mul3A_1282, %shift_right_logical3A_1280 : vector<16xi32>
    %sub3A_1284 = arith.subi %sub3A_1274, %mul3A_1283 : vector<16xi32>
    %mul3A_1285 = arith.constant 32 : i32
    %mul3A_1286 = vector.broadcast %mul3A_1285 : i32 to vector<16xi32>
    %mul3A_1287 = arith.muli %mul3A_1286, %sub3A_1284 : vector<16xi32>
    %add3A_1288 = arith.constant 16 : i32
    %add3A_1289 = vector.broadcast %add3A_1288 : i32 to vector<16xi32>
    %add3A_1290 = arith.addi %add3A_1289, %mul3A_1287 : vector<16xi32>
    %gather3A_1291 = tpu.vector_load_idx %arg4[%shift_right_logical3A_1270, %shift_right_logical3A_1280, %sub3A, %add3A_1290] : memref<16x7x1x224xf32, #tpu.memory_space<vmem>>[vector<16xi32>, vector<16xi32>, vector<16xi32>, vector<16xi32>], vector<16xf32>,
    %swap3A_1292 = arith.constant 624 : index
    %swap3A_1293 = tpu.vector_load %arg5[%swap3A_1292] {strides = array<i32>} : memref<784xf32, #tpu.memory_space<vmem>>, vector<16xf32>,
    tpu.vector_store %arg5[%swap3A_1292], %gather3A_1291 {strides = array<i32>} : memref<784xf32, #tpu.memory_space<vmem>>, vector<16xf32>,
    %add3A_1294 = arith.constant 640 : i32
    %add3A_1295 = vector.broadcast %add3A_1294 : i32 to vector<16xi32>
    %add3A_1296 = arith.addi %iota3A, %add3A_1295 : vector<16xi32>
    %mul3A_1297 = arith.constant 5350 : i32
    %mul3A_1298 = vector.broadcast %mul3A_1297 : i32 to vector<16xi32>
    %mul3A_1299 = arith.muli %add3A_1296, %mul3A_1298 : vector<16xi32>
    %shift_right_logical3A_1300 = arith.constant 18 : i32
    %shift_right_logical3A_1301 = vector.broadcast %shift_right_logical3A_1300 : i32 to vector<16xi32>
    %shift_right_logical3A_1302 = arith.shrui %mul3A_1299, %shift_right_logical3A_1301 : vector<16xi32>
    %mul3A_1303 = arith.constant 49 : i32
    %mul3A_1304 = vector.broadcast %mul3A_1303 : i32 to vector<16xi32>
    %mul3A_1305 = arith.muli %mul3A_1304, %shift_right_logical3A_1302 : vector<16xi32>
    %sub3A_1306 = arith.subi %add3A_1296, %mul3A_1305 : vector<16xi32>
    %mul3A_1307 = arith.constant 37450 : i32
    %mul3A_1308 = vector.broadcast %mul3A_1307 : i32 to vector<16xi32>
    %mul3A_1309 = arith.muli %sub3A_1306, %mul3A_1308 : vector<16xi32>
    %shift_right_logical3A_1310 = arith.constant 18 : i32
    %shift_right_logical3A_1311 = vector.broadcast %shift_right_logical3A_1310 : i32 to vector<16xi32>
    %shift_right_logical3A_1312 = arith.shrui %mul3A_1309, %shift_right_logical3A_1311 : vector<16xi32>
    %mul3A_1313 = arith.constant 7 : i32
    %mul3A_1314 = vector.broadcast %mul3A_1313 : i32 to vector<16xi32>
    %mul3A_1315 = arith.muli %mul3A_1314, %shift_right_logical3A_1312 : vector<16xi32>
    %sub3A_1316 = arith.subi %sub3A_1306, %mul3A_1315 : vector<16xi32>
    %mul3A_1317 = arith.constant 32 : i32
    %mul3A_1318 = vector.broadcast %mul3A_1317 : i32 to vector<16xi32>
    %mul3A_1319 = arith.muli %mul3A_1318, %sub3A_1316 : vector<16xi32>
    %add3A_1320 = arith.constant 16 : i32
    %add3A_1321 = vector.broadcast %add3A_1320 : i32 to vector<16xi32>
    %add3A_1322 = arith.addi %add3A_1321, %mul3A_1319 : vector<16xi32>
    %gather3A_1323 = tpu.vector_load_idx %arg4[%shift_right_logical3A_1302, %shift_right_logical3A_1312, %sub3A, %add3A_1322] : memref<16x7x1x224xf32, #tpu.memory_space<vmem>>[vector<16xi32>, vector<16xi32>, vector<16xi32>, vector<16xi32>], vector<16xf32>,
    %swap3A_1324 = arith.constant 640 : index
    %swap3A_1325 = tpu.vector_load %arg5[%swap3A_1324] {strides = array<i32>} : memref<784xf32, #tpu.memory_space<vmem>>, vector<16xf32>,
    tpu.vector_store %arg5[%swap3A_1324], %gather3A_1323 {strides = array<i32>} : memref<784xf32, #tpu.memory_space<vmem>>, vector<16xf32>,
    %add3A_1326 = arith.constant 656 : i32
    %add3A_1327 = vector.broadcast %add3A_1326 : i32 to vector<16xi32>
    %add3A_1328 = arith.addi %iota3A, %add3A_1327 : vector<16xi32>
    %mul3A_1329 = arith.constant 5350 : i32
    %mul3A_1330 = vector.broadcast %mul3A_1329 : i32 to vector<16xi32>
    %mul3A_1331 = arith.muli %add3A_1328, %mul3A_1330 : vector<16xi32>
    %shift_right_logical3A_1332 = arith.constant 18 : i32
    %shift_right_logical3A_1333 = vector.broadcast %shift_right_logical3A_1332 : i32 to vector<16xi32>
    %shift_right_logical3A_1334 = arith.shrui %mul3A_1331, %shift_right_logical3A_1333 : vector<16xi32>
    %mul3A_1335 = arith.constant 49 : i32
    %mul3A_1336 = vector.broadcast %mul3A_1335 : i32 to vector<16xi32>
    %mul3A_1337 = arith.muli %mul3A_1336, %shift_right_logical3A_1334 : vector<16xi32>
    %sub3A_1338 = arith.subi %add3A_1328, %mul3A_1337 : vector<16xi32>
    %mul3A_1339 = arith.constant 37450 : i32
    %mul3A_1340 = vector.broadcast %mul3A_1339 : i32 to vector<16xi32>
    %mul3A_1341 = arith.muli %sub3A_1338, %mul3A_1340 : vector<16xi32>
    %shift_right_logical3A_1342 = arith.constant 18 : i32
    %shift_right_logical3A_1343 = vector.broadcast %shift_right_logical3A_1342 : i32 to vector<16xi32>
    %shift_right_logical3A_1344 = arith.shrui %mul3A_1341, %shift_right_logical3A_1343 : vector<16xi32>
    %mul3A_1345 = arith.constant 7 : i32
    %mul3A_1346 = vector.broadcast %mul3A_1345 : i32 to vector<16xi32>
    %mul3A_1347 = arith.muli %mul3A_1346, %shift_right_logical3A_1344 : vector<16xi32>
    %sub3A_1348 = arith.subi %sub3A_1338, %mul3A_1347 : vector<16xi32>
    %mul3A_1349 = arith.constant 32 : i32
    %mul3A_1350 = vector.broadcast %mul3A_1349 : i32 to vector<16xi32>
    %mul3A_1351 = arith.muli %mul3A_1350, %sub3A_1348 : vector<16xi32>
    %add3A_1352 = arith.constant 16 : i32
    %add3A_1353 = vector.broadcast %add3A_1352 : i32 to vector<16xi32>
    %add3A_1354 = arith.addi %add3A_1353, %mul3A_1351 : vector<16xi32>
    %gather3A_1355 = tpu.vector_load_idx %arg4[%shift_right_logical3A_1334, %shift_right_logical3A_1344, %sub3A, %add3A_1354] : memref<16x7x1x224xf32, #tpu.memory_space<vmem>>[vector<16xi32>, vector<16xi32>, vector<16xi32>, vector<16xi32>], vector<16xf32>,
    %swap3A_1356 = arith.constant 656 : index
    %swap3A_1357 = tpu.vector_load %arg5[%swap3A_1356] {strides = array<i32>} : memref<784xf32, #tpu.memory_space<vmem>>, vector<16xf32>,
    tpu.vector_store %arg5[%swap3A_1356], %gather3A_1355 {strides = array<i32>} : memref<784xf32, #tpu.memory_space<vmem>>, vector<16xf32>,
    %add3A_1358 = arith.constant 672 : i32
    %add3A_1359 = vector.broadcast %add3A_1358 : i32 to vector<16xi32>
    %add3A_1360 = arith.addi %iota3A, %add3A_1359 : vector<16xi32>
    %mul3A_1361 = arith.constant 5350 : i32
    %mul3A_1362 = vector.broadcast %mul3A_1361 : i32 to vector<16xi32>
    %mul3A_1363 = arith.muli %add3A_1360, %mul3A_1362 : vector<16xi32>
    %shift_right_logical3A_1364 = arith.constant 18 : i32
    %shift_right_logical3A_1365 = vector.broadcast %shift_right_logical3A_1364 : i32 to vector<16xi32>
    %shift_right_logical3A_1366 = arith.shrui %mul3A_1363, %shift_right_logical3A_1365 : vector<16xi32>
    %mul3A_1367 = arith.constant 49 : i32
    %mul3A_1368 = vector.broadcast %mul3A_1367 : i32 to vector<16xi32>
    %mul3A_1369 = arith.muli %mul3A_1368, %shift_right_logical3A_1366 : vector<16xi32>
    %sub3A_1370 = arith.subi %add3A_1360, %mul3A_1369 : vector<16xi32>
    %mul3A_1371 = arith.constant 37450 : i32
    %mul3A_1372 = vector.broadcast %mul3A_1371 : i32 to vector<16xi32>
    %mul3A_1373 = arith.muli %sub3A_1370, %mul3A_1372 : vector<16xi32>
    %shift_right_logical3A_1374 = arith.constant 18 : i32
    %shift_right_logical3A_1375 = vector.broadcast %shift_right_logical3A_1374 : i32 to vector<16xi32>
    %shift_right_logical3A_1376 = arith.shrui %mul3A_1373, %shift_right_logical3A_1375 : vector<16xi32>
    %mul3A_1377 = arith.constant 7 : i32
    %mul3A_1378 = vector.broadcast %mul3A_1377 : i32 to vector<16xi32>
    %mul3A_1379 = arith.muli %mul3A_1378, %shift_right_logical3A_1376 : vector<16xi32>
    %sub3A_1380 = arith.subi %sub3A_1370, %mul3A_1379 : vector<16xi32>
    %mul3A_1381 = arith.constant 32 : i32
    %mul3A_1382 = vector.broadcast %mul3A_1381 : i32 to vector<16xi32>
    %mul3A_1383 = arith.muli %mul3A_1382, %sub3A_1380 : vector<16xi32>
    %add3A_1384 = arith.constant 16 : i32
    %add3A_1385 = vector.broadcast %add3A_1384 : i32 to vector<16xi32>
    %add3A_1386 = arith.addi %add3A_1385, %mul3A_1383 : vector<16xi32>
    %gather3A_1387 = tpu.vector_load_idx %arg4[%shift_right_logical3A_1366, %shift_right_logical3A_1376, %sub3A, %add3A_1386] : memref<16x7x1x224xf32, #tpu.memory_space<vmem>>[vector<16xi32>, vector<16xi32>, vector<16xi32>, vector<16xi32>], vector<16xf32>,
    %swap3A_1388 = arith.constant 672 : index
    %swap3A_1389 = tpu.vector_load %arg5[%swap3A_1388] {strides = array<i32>} : memref<784xf32, #tpu.memory_space<vmem>>, vector<16xf32>,
    tpu.vector_store %arg5[%swap3A_1388], %gather3A_1387 {strides = array<i32>} : memref<784xf32, #tpu.memory_space<vmem>>, vector<16xf32>,
    %add3A_1390 = arith.constant 688 : i32
    %add3A_1391 = vector.broadcast %add3A_1390 : i32 to vector<16xi32>
    %add3A_1392 = arith.addi %iota3A, %add3A_1391 : vector<16xi32>
    %mul3A_1393 = arith.constant 5350 : i32
    %mul3A_1394 = vector.broadcast %mul3A_1393 : i32 to vector<16xi32>
    %mul3A_1395 = arith.muli %add3A_1392, %mul3A_1394 : vector<16xi32>
    %shift_right_logical3A_1396 = arith.constant 18 : i32
    %shift_right_logical3A_1397 = vector.broadcast %shift_right_logical3A_1396 : i32 to vector<16xi32>
    %shift_right_logical3A_1398 = arith.shrui %mul3A_1395, %shift_right_logical3A_1397 : vector<16xi32>
    %mul3A_1399 = arith.constant 49 : i32
    %mul3A_1400 = vector.broadcast %mul3A_1399 : i32 to vector<16xi32>
    %mul3A_1401 = arith.muli %mul3A_1400, %shift_right_logical3A_1398 : vector<16xi32>
    %sub3A_1402 = arith.subi %add3A_1392, %mul3A_1401 : vector<16xi32>
    %mul3A_1403 = arith.constant 37450 : i32
    %mul3A_1404 = vector.broadcast %mul3A_1403 : i32 to vector<16xi32>
    %mul3A_1405 = arith.muli %sub3A_1402, %mul3A_1404 : vector<16xi32>
    %shift_right_logical3A_1406 = arith.constant 18 : i32
    %shift_right_logical3A_1407 = vector.broadcast %shift_right_logical3A_1406 : i32 to vector<16xi32>
    %shift_right_logical3A_1408 = arith.shrui %mul3A_1405, %shift_right_logical3A_1407 : vector<16xi32>
    %mul3A_1409 = arith.constant 7 : i32
    %mul3A_1410 = vector.broadcast %mul3A_1409 : i32 to vector<16xi32>
    %mul3A_1411 = arith.muli %mul3A_1410, %shift_right_logical3A_1408 : vector<16xi32>
    %sub3A_1412 = arith.subi %sub3A_1402, %mul3A_1411 : vector<16xi32>
    %mul3A_1413 = arith.constant 32 : i32
    %mul3A_1414 = vector.broadcast %mul3A_1413 : i32 to vector<16xi32>
    %mul3A_1415 = arith.muli %mul3A_1414, %sub3A_1412 : vector<16xi32>
    %add3A_1416 = arith.constant 16 : i32
    %add3A_1417 = vector.broadcast %add3A_1416 : i32 to vector<16xi32>
    %add3A_1418 = arith.addi %add3A_1417, %mul3A_1415 : vector<16xi32>
    %gather3A_1419 = tpu.vector_load_idx %arg4[%shift_right_logical3A_1398, %shift_right_logical3A_1408, %sub3A, %add3A_1418] : memref<16x7x1x224xf32, #tpu.memory_space<vmem>>[vector<16xi32>, vector<16xi32>, vector<16xi32>, vector<16xi32>], vector<16xf32>,
    %swap3A_1420 = arith.constant 688 : index
    %swap3A_1421 = tpu.vector_load %arg5[%swap3A_1420] {strides = array<i32>} : memref<784xf32, #tpu.memory_space<vmem>>, vector<16xf32>,
    tpu.vector_store %arg5[%swap3A_1420], %gather3A_1419 {strides = array<i32>} : memref<784xf32, #tpu.memory_space<vmem>>, vector<16xf32>,
    %add3A_1422 = arith.constant 704 : i32
    %add3A_1423 = vector.broadcast %add3A_1422 : i32 to vector<16xi32>
    %add3A_1424 = arith.addi %iota3A, %add3A_1423 : vector<16xi32>
    %mul3A_1425 = arith.constant 5350 : i32
    %mul3A_1426 = vector.broadcast %mul3A_1425 : i32 to vector<16xi32>
    %mul3A_1427 = arith.muli %add3A_1424, %mul3A_1426 : vector<16xi32>
    %shift_right_logical3A_1428 = arith.constant 18 : i32
    %shift_right_logical3A_1429 = vector.broadcast %shift_right_logical3A_1428 : i32 to vector<16xi32>
    %shift_right_logical3A_1430 = arith.shrui %mul3A_1427, %shift_right_logical3A_1429 : vector<16xi32>
    %mul3A_1431 = arith.constant 49 : i32
    %mul3A_1432 = vector.broadcast %mul3A_1431 : i32 to vector<16xi32>
    %mul3A_1433 = arith.muli %mul3A_1432, %shift_right_logical3A_1430 : vector<16xi32>
    %sub3A_1434 = arith.subi %add3A_1424, %mul3A_1433 : vector<16xi32>
    %mul3A_1435 = arith.constant 37450 : i32
    %mul3A_1436 = vector.broadcast %mul3A_1435 : i32 to vector<16xi32>
    %mul3A_1437 = arith.muli %sub3A_1434, %mul3A_1436 : vector<16xi32>
    %shift_right_logical3A_1438 = arith.constant 18 : i32
    %shift_right_logical3A_1439 = vector.broadcast %shift_right_logical3A_1438 : i32 to vector<16xi32>
    %shift_right_logical3A_1440 = arith.shrui %mul3A_1437, %shift_right_logical3A_1439 : vector<16xi32>
    %mul3A_1441 = arith.constant 7 : i32
    %mul3A_1442 = vector.broadcast %mul3A_1441 : i32 to vector<16xi32>
    %mul3A_1443 = arith.muli %mul3A_1442, %shift_right_logical3A_1440 : vector<16xi32>
    %sub3A_1444 = arith.subi %sub3A_1434, %mul3A_1443 : vector<16xi32>
    %mul3A_1445 = arith.constant 32 : i32
    %mul3A_1446 = vector.broadcast %mul3A_1445 : i32 to vector<16xi32>
    %mul3A_1447 = arith.muli %mul3A_1446, %sub3A_1444 : vector<16xi32>
    %add3A_1448 = arith.constant 16 : i32
    %add3A_1449 = vector.broadcast %add3A_1448 : i32 to vector<16xi32>
    %add3A_1450 = arith.addi %add3A_1449, %mul3A_1447 : vector<16xi32>
    %gather3A_1451 = tpu.vector_load_idx %arg4[%shift_right_logical3A_1430, %shift_right_logical3A_1440, %sub3A, %add3A_1450] : memref<16x7x1x224xf32, #tpu.memory_space<vmem>>[vector<16xi32>, vector<16xi32>, vector<16xi32>, vector<16xi32>], vector<16xf32>,
    %swap3A_1452 = arith.constant 704 : index
    %swap3A_1453 = tpu.vector_load %arg5[%swap3A_1452] {strides = array<i32>} : memref<784xf32, #tpu.memory_space<vmem>>, vector<16xf32>,
    tpu.vector_store %arg5[%swap3A_1452], %gather3A_1451 {strides = array<i32>} : memref<784xf32, #tpu.memory_space<vmem>>, vector<16xf32>,
    %add3A_1454 = arith.constant 720 : i32
    %add3A_1455 = vector.broadcast %add3A_1454 : i32 to vector<16xi32>
    %add3A_1456 = arith.addi %iota3A, %add3A_1455 : vector<16xi32>
    %mul3A_1457 = arith.constant 5350 : i32
    %mul3A_1458 = vector.broadcast %mul3A_1457 : i32 to vector<16xi32>
    %mul3A_1459 = arith.muli %add3A_1456, %mul3A_1458 : vector<16xi32>
    %shift_right_logical3A_1460 = arith.constant 18 : i32
    %shift_right_logical3A_1461 = vector.broadcast %shift_right_logical3A_1460 : i32 to vector<16xi32>
    %shift_right_logical3A_1462 = arith.shrui %mul3A_1459, %shift_right_logical3A_1461 : vector<16xi32>
    %mul3A_1463 = arith.constant 49 : i32
    %mul3A_1464 = vector.broadcast %mul3A_1463 : i32 to vector<16xi32>
    %mul3A_1465 = arith.muli %mul3A_1464, %shift_right_logical3A_1462 : vector<16xi32>
    %sub3A_1466 = arith.subi %add3A_1456, %mul3A_1465 : vector<16xi32>
    %mul3A_1467 = arith.constant 37450 : i32
    %mul3A_1468 = vector.broadcast %mul3A_1467 : i32 to vector<16xi32>
    %mul3A_1469 = arith.muli %sub3A_1466, %mul3A_1468 : vector<16xi32>
    %shift_right_logical3A_1470 = arith.constant 18 : i32
    %shift_right_logical3A_1471 = vector.broadcast %shift_right_logical3A_1470 : i32 to vector<16xi32>
    %shift_right_logical3A_1472 = arith.shrui %mul3A_1469, %shift_right_logical3A_1471 : vector<16xi32>
    %mul3A_1473 = arith.constant 7 : i32
    %mul3A_1474 = vector.broadcast %mul3A_1473 : i32 to vector<16xi32>
    %mul3A_1475 = arith.muli %mul3A_1474, %shift_right_logical3A_1472 : vector<16xi32>
    %sub3A_1476 = arith.subi %sub3A_1466, %mul3A_1475 : vector<16xi32>
    %mul3A_1477 = arith.constant 32 : i32
    %mul3A_1478 = vector.broadcast %mul3A_1477 : i32 to vector<16xi32>
    %mul3A_1479 = arith.muli %mul3A_1478, %sub3A_1476 : vector<16xi32>
    %add3A_1480 = arith.constant 16 : i32
    %add3A_1481 = vector.broadcast %add3A_1480 : i32 to vector<16xi32>
    %add3A_1482 = arith.addi %add3A_1481, %mul3A_1479 : vector<16xi32>
    %gather3A_1483 = tpu.vector_load_idx %arg4[%shift_right_logical3A_1462, %shift_right_logical3A_1472, %sub3A, %add3A_1482] : memref<16x7x1x224xf32, #tpu.memory_space<vmem>>[vector<16xi32>, vector<16xi32>, vector<16xi32>, vector<16xi32>], vector<16xf32>,
    %swap3A_1484 = arith.constant 720 : index
    %swap3A_1485 = tpu.vector_load %arg5[%swap3A_1484] {strides = array<i32>} : memref<784xf32, #tpu.memory_space<vmem>>, vector<16xf32>,
    tpu.vector_store %arg5[%swap3A_1484], %gather3A_1483 {strides = array<i32>} : memref<784xf32, #tpu.memory_space<vmem>>, vector<16xf32>,
    %add3A_1486 = arith.constant 736 : i32
    %add3A_1487 = vector.broadcast %add3A_1486 : i32 to vector<16xi32>
    %add3A_1488 = arith.addi %iota3A, %add3A_1487 : vector<16xi32>
    %mul3A_1489 = arith.constant 5350 : i32
    %mul3A_1490 = vector.broadcast %mul3A_1489 : i32 to vector<16xi32>
    %mul3A_1491 = arith.muli %add3A_1488, %mul3A_1490 : vector<16xi32>
    %shift_right_logical3A_1492 = arith.constant 18 : i32
    %shift_right_logical3A_1493 = vector.broadcast %shift_right_logical3A_1492 : i32 to vector<16xi32>
    %shift_right_logical3A_1494 = arith.shrui %mul3A_1491, %shift_right_logical3A_1493 : vector<16xi32>
    %mul3A_1495 = arith.constant 49 : i32
    %mul3A_1496 = vector.broadcast %mul3A_1495 : i32 to vector<16xi32>
    %mul3A_1497 = arith.muli %mul3A_1496, %shift_right_logical3A_1494 : vector<16xi32>
    %sub3A_1498 = arith.subi %add3A_1488, %mul3A_1497 : vector<16xi32>
    %mul3A_1499 = arith.constant 37450 : i32
    %mul3A_1500 = vector.broadcast %mul3A_1499 : i32 to vector<16xi32>
    %mul3A_1501 = arith.muli %sub3A_1498, %mul3A_1500 : vector<16xi32>
    %shift_right_logical3A_1502 = arith.constant 18 : i32
    %shift_right_logical3A_1503 = vector.broadcast %shift_right_logical3A_1502 : i32 to vector<16xi32>
    %shift_right_logical3A_1504 = arith.shrui %mul3A_1501, %shift_right_logical3A_1503 : vector<16xi32>
    %mul3A_1505 = arith.constant 7 : i32
    %mul3A_1506 = vector.broadcast %mul3A_1505 : i32 to vector<16xi32>
    %mul3A_1507 = arith.muli %mul3A_1506, %shift_right_logical3A_1504 : vector<16xi32>
    %sub3A_1508 = arith.subi %sub3A_1498, %mul3A_1507 : vector<16xi32>
    %mul3A_1509 = arith.constant 32 : i32
    %mul3A_1510 = vector.broadcast %mul3A_1509 : i32 to vector<16xi32>
    %mul3A_1511 = arith.muli %mul3A_1510, %sub3A_1508 : vector<16xi32>
    %add3A_1512 = arith.constant 16 : i32
    %add3A_1513 = vector.broadcast %add3A_1512 : i32 to vector<16xi32>
    %add3A_1514 = arith.addi %add3A_1513, %mul3A_1511 : vector<16xi32>
    %gather3A_1515 = tpu.vector_load_idx %arg4[%shift_right_logical3A_1494, %shift_right_logical3A_1504, %sub3A, %add3A_1514] : memref<16x7x1x224xf32, #tpu.memory_space<vmem>>[vector<16xi32>, vector<16xi32>, vector<16xi32>, vector<16xi32>], vector<16xf32>,
    %swap3A_1516 = arith.constant 736 : index
    %swap3A_1517 = tpu.vector_load %arg5[%swap3A_1516] {strides = array<i32>} : memref<784xf32, #tpu.memory_space<vmem>>, vector<16xf32>,
    tpu.vector_store %arg5[%swap3A_1516], %gather3A_1515 {strides = array<i32>} : memref<784xf32, #tpu.memory_space<vmem>>, vector<16xf32>,
    %add3A_1518 = arith.constant 752 : i32
    %add3A_1519 = vector.broadcast %add3A_1518 : i32 to vector<16xi32>
    %add3A_1520 = arith.addi %iota3A, %add3A_1519 : vector<16xi32>
    %mul3A_1521 = arith.constant 5350 : i32
    %mul3A_1522 = vector.broadcast %mul3A_1521 : i32 to vector<16xi32>
    %mul3A_1523 = arith.muli %add3A_1520, %mul3A_1522 : vector<16xi32>
    %shift_right_logical3A_1524 = arith.constant 18 : i32
    %shift_right_logical3A_1525 = vector.broadcast %shift_right_logical3A_1524 : i32 to vector<16xi32>
    %shift_right_logical3A_1526 = arith.shrui %mul3A_1523, %shift_right_logical3A_1525 : vector<16xi32>
    %mul3A_1527 = arith.constant 49 : i32
    %mul3A_1528 = vector.broadcast %mul3A_1527 : i32 to vector<16xi32>
    %mul3A_1529 = arith.muli %mul3A_1528, %shift_right_logical3A_1526 : vector<16xi32>
    %sub3A_1530 = arith.subi %add3A_1520, %mul3A_1529 : vector<16xi32>
    %mul3A_1531 = arith.constant 37450 : i32
    %mul3A_1532 = vector.broadcast %mul3A_1531 : i32 to vector<16xi32>
    %mul3A_1533 = arith.muli %sub3A_1530, %mul3A_1532 : vector<16xi32>
    %shift_right_logical3A_1534 = arith.constant 18 : i32
    %shift_right_logical3A_1535 = vector.broadcast %shift_right_logical3A_1534 : i32 to vector<16xi32>
    %shift_right_logical3A_1536 = arith.shrui %mul3A_1533, %shift_right_logical3A_1535 : vector<16xi32>
    %mul3A_1537 = arith.constant 7 : i32
    %mul3A_1538 = vector.broadcast %mul3A_1537 : i32 to vector<16xi32>
    %mul3A_1539 = arith.muli %mul3A_1538, %shift_right_logical3A_1536 : vector<16xi32>
    %sub3A_1540 = arith.subi %sub3A_1530, %mul3A_1539 : vector<16xi32>
    %mul3A_1541 = arith.constant 32 : i32
    %mul3A_1542 = vector.broadcast %mul3A_1541 : i32 to vector<16xi32>
    %mul3A_1543 = arith.muli %mul3A_1542, %sub3A_1540 : vector<16xi32>
    %add3A_1544 = arith.constant 16 : i32
    %add3A_1545 = vector.broadcast %add3A_1544 : i32 to vector<16xi32>
    %add3A_1546 = arith.addi %add3A_1545, %mul3A_1543 : vector<16xi32>
    %gather3A_1547 = tpu.vector_load_idx %arg4[%shift_right_logical3A_1526, %shift_right_logical3A_1536, %sub3A, %add3A_1546] : memref<16x7x1x224xf32, #tpu.memory_space<vmem>>[vector<16xi32>, vector<16xi32>, vector<16xi32>, vector<16xi32>], vector<16xf32>,
    %swap3A_1548 = arith.constant 752 : index
    %swap3A_1549 = tpu.vector_load %arg5[%swap3A_1548] {strides = array<i32>} : memref<784xf32, #tpu.memory_space<vmem>>, vector<16xf32>,
    tpu.vector_store %arg5[%swap3A_1548], %gather3A_1547 {strides = array<i32>} : memref<784xf32, #tpu.memory_space<vmem>>, vector<16xf32>,
    %add3A_1550 = arith.constant 768 : i32
    %add3A_1551 = vector.broadcast %add3A_1550 : i32 to vector<16xi32>
    %add3A_1552 = arith.addi %iota3A, %add3A_1551 : vector<16xi32>
    %mul3A_1553 = arith.constant 5350 : i32
    %mul3A_1554 = vector.broadcast %mul3A_1553 : i32 to vector<16xi32>
    %mul3A_1555 = arith.muli %add3A_1552, %mul3A_1554 : vector<16xi32>
    %shift_right_logical3A_1556 = arith.constant 18 : i32
    %shift_right_logical3A_1557 = vector.broadcast %shift_right_logical3A_1556 : i32 to vector<16xi32>
    %shift_right_logical3A_1558 = arith.shrui %mul3A_1555, %shift_right_logical3A_1557 : vector<16xi32>
    %mul3A_1559 = arith.constant 49 : i32
    %mul3A_1560 = vector.broadcast %mul3A_1559 : i32 to vector<16xi32>
    %mul3A_1561 = arith.muli %mul3A_1560, %shift_right_logical3A_1558 : vector<16xi32>
    %sub3A_1562 = arith.subi %add3A_1552, %mul3A_1561 : vector<16xi32>
    %mul3A_1563 = arith.constant 37450 : i32
    %mul3A_1564 = vector.broadcast %mul3A_1563 : i32 to vector<16xi32>
    %mul3A_1565 = arith.muli %sub3A_1562, %mul3A_1564 : vector<16xi32>
    %shift_right_logical3A_1566 = arith.constant 18 : i32
    %shift_right_logical3A_1567 = vector.broadcast %shift_right_logical3A_1566 : i32 to vector<16xi32>
    %shift_right_logical3A_1568 = arith.shrui %mul3A_1565, %shift_right_logical3A_1567 : vector<16xi32>
    %mul3A_1569 = arith.constant 7 : i32
    %mul3A_1570 = vector.broadcast %mul3A_1569 : i32 to vector<16xi32>
    %mul3A_1571 = arith.muli %mul3A_1570, %shift_right_logical3A_1568 : vector<16xi32>
    %sub3A_1572 = arith.subi %sub3A_1562, %mul3A_1571 : vector<16xi32>
    %mul3A_1573 = arith.constant 32 : i32
    %mul3A_1574 = vector.broadcast %mul3A_1573 : i32 to vector<16xi32>
    %mul3A_1575 = arith.muli %mul3A_1574, %sub3A_1572 : vector<16xi32>
    %add3A_1576 = arith.constant 16 : i32
    %add3A_1577 = vector.broadcast %add3A_1576 : i32 to vector<16xi32>
    %add3A_1578 = arith.addi %add3A_1577, %mul3A_1575 : vector<16xi32>
    %gather3A_1579 = tpu.vector_load_idx %arg4[%shift_right_logical3A_1558, %shift_right_logical3A_1568, %sub3A, %add3A_1578] : memref<16x7x1x224xf32, #tpu.memory_space<vmem>>[vector<16xi32>, vector<16xi32>, vector<16xi32>, vector<16xi32>], vector<16xf32>,
    %swap3A_1580 = arith.constant 768 : index
    %swap3A_1581 = tpu.vector_load %arg5[%swap3A_1580] {strides = array<i32>} : memref<784xf32, #tpu.memory_space<vmem>>, vector<16xf32>,
    tpu.vector_store %arg5[%swap3A_1580], %gather3A_1579 {strides = array<i32>} : memref<784xf32, #tpu.memory_space<vmem>>, vector<16xf32>,
    %mul3A_1582 = arith.constant 784 : i32
    %mul3A_1583 = arith.muli %add3A, %mul3A_1582 : i32
    "tpu.region"() ({
      %run_scoped3A = tpu.sem_alloc : memref<!tpu.dma_semaphore, #tpu.memory_space<semaphore_mem>>
      %dma_start3A_1584 = tpu.memref_slice %arg3[%mul3A_1583] : memref<25088xf32, #tpu.memory_space<hbm>> -> memref<784xf32, #tpu.memory_space<hbm>>
      %dma_start3A_1585 = tpu.memref_slice %arg3[%mul3A_1583] : memref<25088xf32, #tpu.memory_space<hbm>> -> memref<784xf32, #tpu.memory_space<hbm>>
      tpu.enqueue_dma source(%arg5 : memref<784xf32, #tpu.memory_space<vmem>>) target(%dma_start3A_1585 : memref<784xf32, #tpu.memory_space<hbm>>) target_semaphore(%run_scoped3A : memref<!tpu.dma_semaphore, #tpu.memory_space<semaphore_mem>>)
      %dma_wait3A_1586 = tpu.memref_slice %arg3[%mul3A_1583] : memref<25088xf32, #tpu.memory_space<hbm>> -> memref<784xf32, #tpu.memory_space<hbm>>
      %dma_wait3A_1587 = tpu.memref_slice %arg3[%mul3A_1583] : memref<25088xf32, #tpu.memory_space<hbm>> -> memref<784xf32, #tpu.memory_space<hbm>>
      tpu.wait_dma2 semaphore(%run_scoped3A : memref<!tpu.dma_semaphore, #tpu.memory_space<semaphore_mem>>) src(%arg5 : memref<784xf32, #tpu.memory_space<vmem>>) dst(%dma_wait3A_1587 : memref<784xf32, #tpu.memory_space<hbm>>)
      tpu.yield
    }) : () -> ()
    return
  }
}

</mosaic_0001>

<sc_bundles>
// kernel: kernel.3.cloned.1.call-start
scs
__scs_entry_jumppad:
0x0: {  	(pc) =	sbr.rel $0x88, $3  }
0x1: {  	(tag) =	ssettag $0x0;
	lr =	simm.s32 $0x1  }
0x2: {  	[smem:$0x3FA0] =	sst lr;
	_ =	strace $0xD0000000  }
0x3: {  	_ = 	snop  }
0x4: {  	_ = 	snop  }
0x5: {  	_ = 	snop  }
0x6: {  	_ = 	snop  }
0x7: {  	_ = 	snop  }
__scs_overlays_trampoline_lowered:
0x8: {  	[smem:$0x3FAF] =	sst s0  }
0x9: {  	[smem:$0x3FB0] =	sst s1  }
0xa: {  	[smem:$0x3FB1] =	sst s2  }
0xb: {  	[smem:$0x3FB2] =	sst s3  }
0xc: {  	[smem:$0x3FB3] =	sst s4  }
0xd: {  	[smem:$0x3FB4] =	sst s5  }
0xe: {  	[smem:$0x3FB5] =	sst s6  }
0xf: {  	[smem:$0x3FB6] =	sst s7  }
0x10: {  	[smem:$0x3FB7] =	sst s8  }
0x11: {  	[smem:$0x3FB8] =	sst s9;
	s0 =	simm.s32 @!p0 $0x0  }
0x12: {  	s1 =	sld [smem:$0x3F9E];
	s0 =	simm.s32 @p0 $0x1  }
0x13: {  	[smem:$0x3FB9] =	sst s0;
	s0 =	simm.s32 @!p1 $0x0  }
0x14: {  	s2 =	sld [smem:$0x3F9D];
	s0 =	simm.s32 @p1 $0x1  }
0x15: {  	[smem:$0x3FBA] =	sst s0;
	s0 =	simm.s32 @!p2 $0x0  }
0x16: {  	s3 =	sld [smem:$0x3FDB];
	s0 =	simm.s32 @p2 $0x1  }
0x17: {  	s4 =	simm.s32 $0x1BF5;
	[smem:$0x3FBC] =	sst s0  }
0x18: {  	s0 =	sld [smem:$0x3F9F];
	_ =	swait.ge [sflag:s4], $0x0  }
0x19: {  	s7 =	sld [smem:$0x3FA0]  }
0x1a: {  	s8 =	sadd.s32 $0xFFFFE003, lr  }
0x1b: {  	s9 =	sadd.s32 $0xFFFFFEF7, lr;
	s5 =	simm.s32 $0xFFFFFFFF;
	p2 =	slt.u32 s8, $0xFFFFF086  }
0x1c: {  	p1 =	slt.u32 s9, $0xF7A;
	s5 =	simm.s32 @!p2 $0x0  }
0x1d: {  	s5 =	simm.s32 @p1 $0x1;
	p0 =	seq.s32 s7, s2  }
0x1e: {  	s7 =	smul.u32 @!p0 $0xF7A, s2;
	p2 =	seq.s32 @!p0 s5, $0x0  }
0x1f: {  	s9 =	smul.u32 $0xF7A, s1;
	s8 =	simm.s32 @!p0 $0x1BF5;
	p2 =	por !p2, p0  }
0x20: {  	[sflag:s8] =	ssyncset.s32 @!p0 $0xFFFFF086;
	s6 =	sadd.s32 @!p0 s3, s7;
	s7 =	simm.s32 @!p0 $0x108  }
0x21: {  	s3 =	sadd.s32 s3, s9;
	s6 =	sadd.s32 @!p0 $0x88, s6;
	s7 =	simm.s32 @p2 $0x1082  }
0x22: {  	[simem:s7], [sflag:s8] =	dma.local @!p0 [hbm:s6], $0xF7A  }
0x23: {  	s9 =	sor.u32 $0xD0000000, s2;
	s6 =	simm.s32 $0x108;
	_ =	swait.ge @!p0 [sflag:s8], $0x0  }
0x24: {  	s3 =	sadd.s32 $0x88, s3;
	s6 =	simm.s32 @!p1 $0x1082;
	[sflag:s4] =	ssyncset.s32 $0xFFFFF086  }
0x25: {  	[simem:s6], [sflag:s4] =	dma.local [hbm:s3], $0xF7A  }
0x26: {  	[smem:$0x3FA0] =	sst s1;
	(tag) =	ssettag s2;
	_ =	strace s9  }
0x27: {  	s1 =	sld [smem:$0x3FB0]  }
0x28: {  	s2 =	sld [smem:$0x3FB1]  }
0x29: {  	s4 =	sld [smem:$0x3FB3]  }
0x2a: {  	p0 =	seq.s32 s5, $0x0;
	s5 =	sld [smem:$0x3FB4]  }
0x2b: {  	s6 =	sld [smem:$0x3FB5]  }
0x2c: {  	s7 =	sld [smem:$0x3FB6]  }
0x2d: {  	s3 =	simm.s32 $0x108;
	s8 =	sld [smem:$0x3FB7]  }
0x2e: {  	s3 =	simm.s32 @!p0 $0x1082;
	s9 =	sld [smem:$0x3FB8]  }
0x2f: {  	lr =	sadd.s32 s0, s3;
	s0 =	sld [smem:$0x3FAF]  }
0x30: {  	s3 =	sld [smem:$0x3FB2]  }
0x31: {  	[smem:$0x3FBB] =	sst s10  }
0x32: {  	s10 =	sld [smem:$0x3FB9];
	_ =	sdelay $0x3  }
0x33: {  	p0 =	seq.s32 s10, $0x1;
	s10 =	sld [smem:$0x3FBB];
	_ =	sdelay $0x3  }
0x34: {  	[smem:$0x3FBB] =	sst s10  }
0x35: {  	s10 =	sld [smem:$0x3FBA];
	_ =	sdelay $0x3  }
0x36: {  	p1 =	seq.s32 s10, $0x1;
	s10 =	sld [smem:$0x3FBB];
	_ =	sdelay $0x3  }
0x37: {  	[smem:$0x3FBB] =	sst s10  }
0x38: {  	s10 =	sld [smem:$0x3FBC]  }
0x39: {  	_ = 	snop;
	(pc) =	sbr.ind lr, $3  }
0x3a: {  	_ = 	snop  }
0x3b: {  	_ = 	snop  }
0x3c: {  	p2 =	seq.s32 s10, $0x1;
	s10 =	sld [smem:$0x3FBB]  }
0x3d: {  	_ =	shalt  }
0x3e: {  	_ =	shalt  }
0x3f: {  	_ =	shalt  }
0x40: {  	_ =	shalt  }
0x41: {  	_ =	shalt  }
0x42: {  	_ =	shalt  }
0x43: {  	_ =	shalt  }
0x44: {  	_ =	shalt  }
0x45: {  	_ =	shalt  }
0x46: {  	_ =	shalt  }
0x47: {  	_ =	shalt  }
0x48: {  	_ =	shalt  }
0x49: {  	_ =	shalt  }
0x4a: {  	_ =	shalt  }
0x4b: {  	_ =	shalt  }
0x4c: {  	_ =	shalt  }
0x4d: {  	_ =	shalt  }
0x4e: {  	_ =	shalt  }
0x4f: {  	_ =	shalt  }
0x50: {  	_ =	shalt  }
0x51: {  	_ =	shalt  }
0x52: {  	_ =	shalt  }
0x53: {  	_ =	shalt  }
0x54: {  	_ =	shalt  }
0x55: {  	_ =	shalt  }
0x56: {  	_ =	shalt  }
0x57: {  	_ =	shalt  }
0x58: {  	_ =	shalt  }
0x59: {  	_ =	shalt  }
0x5a: {  	_ =	shalt  }
0x5b: {  	_ =	shalt  }
0x5c: {  	_ =	shalt  }
0x5d: {  	_ =	shalt  }
0x5e: {  	_ =	shalt  }
0x5f: {  	_ =	shalt  }
0x60: {  	_ =	shalt  }
0x61: {  	_ =	shalt  }
0x62: {  	_ =	shalt  }
0x63: {  	_ =	shalt  }
0x64: {  	_ =	shalt  }
0x65: {  	_ =	shalt  }
0x66: {  	_ =	shalt  }
0x67: {  	_ =	shalt  }
0x68: {  	_ =	shalt  }
0x69: {  	_ =	shalt  }
0x6a: {  	_ =	shalt  }
0x6b: {  	_ =	shalt  }
0x6c: {  	_ =	shalt  }
0x6d: {  	_ =	shalt  }
0x6e: {  	_ =	shalt  }
0x6f: {  	_ =	shalt  }
0x70: {  	_ =	shalt  }
0x71: {  	_ =	shalt  }
0x72: {  	_ =	shalt  }
0x73: {  	_ =	shalt  }
0x74: {  	_ =	shalt  }
0x75: {  	_ =	shalt  }
0x76: {  	_ =	shalt  }
0x77: {  	_ =	shalt  }
0x78: {  	_ =	shalt  }
0x79: {  	_ =	shalt  }
0x7a: {  	_ =	shalt  }
0x7b: {  	_ =	shalt  }
0x7c: {  	_ =	shalt  }
0x7d: {  	_ =	shalt  }
0x7e: {  	_ =	shalt  }
0x7f: {  	_ =	shalt  }
0x80: {  	_ =	shalt  }
0x81: {  	_ =	shalt  }
0x82: {  	_ =	shalt  }
0x83: {  	_ =	shalt  }
0x84: {  	_ =	shalt  }
0x85: {  	_ =	shalt  }
0x86: {  	_ =	shalt  }
0x87: {  	_ =	shalt  }
.Lfunc_end0:
.L_simem_size_0:
called_computation_lowered:
.L_overlay_start_0:
0x88: {  	s2 =	sld [smem:$0x3FD9]  }
0x89: {  	s3 =	sld [smem:$0x3FFE];
	_ =	sdelay $0x1  }
0x8a: {  	s1 =	srdreg.scid  }
0x8b: {  	s0 =	sand.u32 $0x1, s1  }
0x8c: {  	s18 =	sshll.u32 s0, $0xA;
	s2 =	sadd.s32 s3, s2  }
0x8d: {  	s2 =	sadd.s32 s2, s18  }
0x8e: {  	[smem:$0x3FC7] =	sst s2  }
0x8f: {  	_ = 	snop  }
0x90: {  	s2 =	sld [smem:$0x3FC9]  }
0x91: {  	s19 =	sld [smem:$0x3FD0];
	(tm) =	ssettm $0x1  }
0x92: {  	s4 =	sld [smem:$0x3FFB];
	_ =	sdelay $0x3  }
0x93: {  	_ =	strace s4  }
0x94: {  	s4 =	sld [smem:$0x3FFC];
	_ =	sdelay $0x3  }
0x95: {  	_ =	strace s4  }
0x96: {  	s4 =	sld [smem:$0x3FFD];
	_ =	sdelay $0x3  }
0x97: {  	_ =	strace s4  }
0x98: {  	_ =	strace $0x8FFFFFFF  }
0x99: {  	s20 =	sld [smem:$0x3FDB];
	_ =	sdelay $0x1  }
0x9a: {  	s5 =	simm.s32 $_scs_section_size  }
0x9b: {  	s6 =	simm.s32 $_size__tile_overlayer_lowered;
	s7 =	simm.s32 $_tile_overlayer_lowered  }
0x9c: {  	s23 =	simm.s32 $0x1BFF;
	s22 =	sshll.u32 s7, $0x1;
	s4 =	sadd.s32 s5, s20  }
0x9d: {  	s8 =	simm.s32 $0x0;
	s21 =	sshll.u32 s6, $0x1;
	s6 =	sadd.s32 s22, s4  }
0x9e: {  	[timem:s8], [sflag:s23] =	dma.local [hbm:s6], s21  }
0x9f: {  	_ =	swait.ge [sflag:s23], s21  }
0xa0: {  	s5 =	ssub.s32 $0x0, s21;
	[sflag:s23] =	ssyncset.done $0x0  }
0xa1: {  	[sflag:s23] =	ssyncadd.s32 s5;
	_ =	sdelay $0x1  }
0xa2: {  	s24 =	simm.s32 $0x1B8B  }
0xa3: {  	_ =	swait.ge [sflag:s24], $0x1  }
0xa4: {  	[sflag:s24] =	ssyncset.done $0x0  }
0xa5: {  	s25 =	simm.s32 $0x1B8E;
	[sflag:s24] =	ssyncadd.s32 $0xFFFFFFFF  }
0xa6: {  	s26 =	simm.s32 $execute0_lowered;
	[smem:$0x3FD2] =	sst s25  }
0xa7: {  	s5 =	sshll.u32 s26, $0x1;
	_ =	strace $0x80000046;
	[dreg:$0x1] =	wrdreg $0xFFFFFFFF  }
0xa8: {  	s28 =	simm.s32 $_size_execute0_lowered;
	s4 =	sadd.s32 s4, s5;
	[dreg:$0x0] =	wrdreg $0x0  }
0xa9: {  	s5 =	sshll.u32 s28, $0x1;
	[dreg:$0x2] =	wrdreg s4  }
0xaa: {  	[dreg:$0x3] =	wrdreg s5  }
0xab: {  	[dreg:$0x4] =	wrdreg $0xC0  }
0xac: {  	_ =	task [dreg:s8], $0x5FFFF  }
0xad: {  	[dreg:$0x1] =	wrdreg $0xFFFFFFFF  }
0xae: {  	[dreg:$0x0] =	wrdreg $0x60  }
0xaf: {  	[dreg:$0x2] =	wrdreg s2  }
0xb0: {  	[dreg:$0x3] =	wrdreg s19  }
0xb1: {  	[dreg:$0x4] =	wrdreg $0x9  }
0xb2: {  	_ =	task.clear_ibuf [dreg:s8], $0x5FFFF;
	_ =	strace $0x90000046  }
0xb3: {  	s29 =	simm.s32 $0x9;
	_ =	strace $0x80000048  }
0xb4: {  	_ =	swait.ge [sflag:s29], $0x1  }
0xb5: {  	[sflag:s29] =	ssyncadd.s32 $0xFFFFFFFF  }
0xb6: {  	_ =	strace $0x90000048  }
0xb7: {  	_ =	sfence  }
0xb8: {  	s30 =	sld [smem:$0x0];
	_ =	sdelay $0x2  }
0xb9: {  	s31 =	sshll.u32 s1, $0xD;
	s1 =	sshrl.u32 s1, $0x2  }
0xba: {  	s3 =	sand.u32 $0x4000, s31;
	s1 =	sadd.s32 s1, s30  }
0xbb: {  	s0 =	sor.u32 s3, s0;
	s1 =	sshll.u32 s1, $0x11  }
0xbc: {  	s0 =	sor.u32 s1, s0  }
0xbd: {  	s0 =	sadd.s32 $0x8F2B, s0  }
0xbe: {  	[sflag:s0] =	ssyncadd.remote.s32 $0x1  }
0xbf: {  	_ =	sfence.sel $0xFFFF  }
0xc0: {  	[dreg:$0x0] =	wrdreg $0xFFFFFFFF;
	(pc) =	sbr.abs _section_cstart, $3  }
0xc1: {  	[dreg:$0x1] =	wrdreg $0xFFFFFFFF  }
0xc2: {  	_ =	task.clear_ibuf [dreg:s8], $0x2FFFF;
	_ =	strace $0x9FFFFFFF  }
0xc3: {  	(tm) =	ssettm $0x7FFFFFFF  }
tec
execute0_lowered:
.L_overlay_start_1:
0x0: {  	(tag) =	ssettag $0x1  }
0x1: {  	v0 =	vimm.s32 $0x70503010;
	v1 =	vimm.s32 $0xD0B090;
	vm0 =	vcmask $0xF00  }
0x2: {  	vm15 =	vcmask $0x1B10;
	vm7 =	vcmask $0x1F1C;
	vm6 =	vcmask $0x2320  }
0x3: {  	vm5 =	vcmask $0x2724;
	vm4 =	vcmask $0x2B28;
	vm3 =	vcmask $0x2F2C  }
0x4: {  	vm2 =	vcmask $0x3330;
	vm8 =	vcmask $0x300;
	vm9 =	vcmask $0x704  }
0x5: {  	vm1 =	vcmask $0x3B38;
	vm10 =	vcmask $0xB08;
	vm11 =	vcmask $0xF0C  }
0x6: {  	v2 =	vimm.s32 $0x6B0;
	v3 =	vimm.s32 $0x910;
	vm12 =	vcmask $0x1310  }
0x7: {  	vm13 =	vcmask $0x1714;
	vm14 =	vcmask $0x1B18;
	v4 =	vimm.s32 $0xB50  }
0x8: {  	v5 =	vimm.s32 $0xD90;
	v6 =	vimm.s32 $0xFD0;
	v7 =	vimm.s32 $0x1230  }
0x9: {  	v8 =	vimm.s32 $0x1470;
	v9 =	vimm.s32 $0x16B0;
	v10 =	vimm.s32 $0x1910  }
0xa: {  	v11 =	vimm.s32 $0x1B50;
	v12 =	vimm.s32 $0x1D90;
	v13 =	vimm.s32 $0x1FD0  }
0xb: {  	v14 =	vimm.s32 $0x2230;
	v15 =	vimm.s32 $0x2470;
	v16 =	vimm.s32 $0x26B0  }
0xc: {  	v17 =	vimm.s32 $0x2910;
	v18 =	vimm.s32 $0x2B50;
	v19 =	vimm.s32 $0x2D90  }
0xd: {  	v20 =	vimm.s32 $0x2FD0;
	v21 =	vimm.s32 $0x3230;
	v22 =	vimm.s32 $0x3470  }
0xe: {  	v23 =	vimm.s32 $0x36B0;
	v24 =	vimm.s32 $0x3910;
	v25 =	vimm.s32 $0x3B50  }
0xf: {  	v26 =	vimm.s32 $0x3D90;
	v27 =	vimm.s32 $0x3FD0;
	v28 =	vimm.s32 $0x4230  }
0x10: {  	v29 =	vimm.s32 $0x4470;
	v30 =	vimm.s32 $0x46B0;
	v31 =	vimm.s32 $0x4910  }
0x11: {  	v32 =	vimm.s32 $0x4B50;
	v33 =	vimm.s32 $0x4D90;
	v34 =	vimm.s32 $0x4FD0  }
0x12: {  	v35 =	vimm.s32 $0x5230;
	v36 =	vimm.s32 $0x5470;
	v37 =	vimm.s32 $0x56B0  }
0x13: {  	v38 =	vimm.s32 $0x5910;
	v39 =	vimm.s32 $0x5B50;
	v40 =	vimm.s32 $0x5D90  }
0x14: {  	v41 =	vimm.s32 $0x5FD0;
	v42 =	vimm.s32 $0x6230;
	v43 =	vimm.s32 $0x6470  }
0x15: {  	v44 =	vimm.s32 $0x66B0;
	v45 =	vimm.s32 $0x6910;
	v46 =	vimm.s32 $0x6B50  }
0x16: {  	v47 =	vimm.s32 $0x6D90;
	v48 =	vimm.s32 $0x6FD0;
	v0 =	vunpack.c.0.s8.s32 v0  }
0x17: {  	v1 =	vunpack.c.0.s8.s32 v1;
	v2 =	vsel vm8, $0x490, v2;
	v3 =	vsel vm8, $0x6D0, v3  }
0x18: {  	v4 =	vsel vm8, $0x930, v4;
	v5 =	vsel vm8, $0xB70, v5;
	v6 =	vsel vm8, $0xDB0, v6  }
0x19: {  	v7 =	vsel vm8, $0x1010, v7;
	v8 =	vsel vm8, $0x1250, v8;
	v9 =	vsel vm8, $0x1490, v9  }
0x1a: {  	v10 =	vsel vm8, $0x16D0, v10;
	v11 =	vsel vm8, $0x1930, v11;
	v12 =	vsel vm8, $0x1B70, v12  }
0x1b: {  	v13 =	vsel vm8, $0x1DB0, v13;
	v14 =	vsel vm8, $0x2010, v14;
	v15 =	vsel vm8, $0x2250, v15  }
0x1c: {  	v16 =	vsel vm8, $0x2490, v16;
	v17 =	vsel vm8, $0x26D0, v17;
	v18 =	vsel vm8, $0x2930, v18  }
0x1d: {  	v19 =	vsel vm8, $0x2B70, v19;
	v20 =	vsel vm8, $0x2DB0, v20;
	v21 =	vsel vm8, $0x3010, v21  }
0x1e: {  	v22 =	vsel vm8, $0x3250, v22;
	v23 =	vsel vm8, $0x3490, v23;
	v24 =	vsel vm8, $0x36D0, v24  }
0x1f: {  	v25 =	vsel vm8, $0x3930, v25;
	v26 =	vsel vm8, $0x3B70, v26;
	v27 =	vsel vm8, $0x3DB0, v27  }
0x20: {  	v28 =	vsel vm8, $0x4010, v28;
	v29 =	vsel vm8, $0x4250, v29;
	v30 =	vsel vm8, $0x4490, v30  }
0x21: {  	v31 =	vsel vm8, $0x46D0, v31;
	v32 =	vsel vm8, $0x4930, v32;
	v33 =	vsel vm8, $0x4B70, v33  }
0x22: {  	v34 =	vsel vm8, $0x4DB0, v34;
	v35 =	vsel vm8, $0x5010, v35;
	v36 =	vsel vm8, $0x5250, v36  }
0x23: {  	v37 =	vsel vm8, $0x5490, v37;
	v38 =	vsel vm8, $0x56D0, v38;
	v39 =	vsel vm8, $0x5930, v39  }
0x24: {  	v40 =	vsel vm8, $0x5B70, v40;
	v41 =	vsel vm8, $0x5DB0, v41;
	v42 =	vsel vm8, $0x6010, v42  }
0x25: {  	v43 =	vsel vm8, $0x6250, v43;
	v44 =	vsel vm8, $0x6490, v44;
	v45 =	vsel vm8, $0x66D0, v45  }
0x26: {  	v46 =	vsel vm8, $0x6930, v46;
	v47 =	vsel vm8, $0x6B70, v47;
	v48 =	vsel vm8, $0x6DB0, v48  }
0x27: {  	v2 =	vsel vm9, $0x4B0, v2;
	v3 =	vsel vm9, $0x710, v3;
	v4 =	vsel vm9, $0x950, v4  }
0x28: {  	v5 =	vsel vm9, $0xB90, v5;
	v6 =	vsel vm9, $0xDD0, v6;
	v7 =	vsel vm9, $0x1030, v7  }
0x29: {  	v8 =	vsel vm9, $0x1270, v8;
	v9 =	vsel vm9, $0x14B0, v9;
	v10 =	vsel vm9, $0x1710, v10  }
0x2a: {  	v11 =	vsel vm9, $0x1950, v11;
	v12 =	vsel vm9, $0x1B90, v12;
	v13 =	vsel vm9, $0x1DD0, v13  }
0x2b: {  	v14 =	vsel vm9, $0x2030, v14;
	v15 =	vsel vm9, $0x2270, v15;
	v16 =	vsel vm9, $0x24B0, v16  }
0x2c: {  	v17 =	vsel vm9, $0x2710, v17;
	v18 =	vsel vm9, $0x2950, v18;
	v19 =	vsel vm9, $0x2B90, v19  }
0x2d: {  	v20 =	vsel vm9, $0x2DD0, v20;
	v21 =	vsel vm9, $0x3030, v21;
	v22 =	vsel vm9, $0x3270, v22  }
0x2e: {  	v23 =	vsel vm9, $0x34B0, v23;
	v24 =	vsel vm9, $0x3710, v24;
	v25 =	vsel vm9, $0x3950, v25  }
0x2f: {  	v26 =	vsel vm9, $0x3B90, v26;
	v27 =	vsel vm9, $0x3DD0, v27;
	v28 =	vsel vm9, $0x4030, v28  }
0x30: {  	v29 =	vsel vm9, $0x4270, v29;
	v30 =	vsel vm9, $0x44B0, v30;
	v31 =	vsel vm9, $0x4710, v31  }
0x31: {  	v32 =	vsel vm9, $0x4950, v32;
	v33 =	vsel vm9, $0x4B90, v33;
	v34 =	vsel vm9, $0x4DD0, v34  }
0x32: {  	v35 =	vsel vm9, $0x5030, v35;
	v36 =	vsel vm9, $0x5270, v36;
	v37 =	vsel vm9, $0x54B0, v37  }
0x33: {  	v38 =	vsel vm9, $0x5710, v38;
	v39 =	vsel vm9, $0x5950, v39;
	v40 =	vsel vm9, $0x5B90, v40  }
0x34: {  	v41 =	vsel vm9, $0x5DD0, v41;
	v42 =	vsel vm9, $0x6030, v42;
	v43 =	vsel vm9, $0x6270, v43  }
0x35: {  	v44 =	vsel vm9, $0x64B0, v44;
	v45 =	vsel vm9, $0x6710, v45;
	v46 =	vsel vm9, $0x6950, v46  }
0x36: {  	v47 =	vsel vm9, $0x6B90, v47;
	v48 =	vsel vm9, $0x6DD0, v48;
	v0 =	vand.u32 $0xFF, v0  }
0x37: {  	v1 =	vand.u32 $0xFF, v1;
	v2 =	vsel vm10, $0x4D0, v2;
	v3 =	vsel vm10, $0x730, v3  }
0x38: {  	v4 =	vsel vm10, $0x970, v4;
	v5 =	vsel vm10, $0xBB0, v5;
	v6 =	vsel vm10, $0xE10, v6  }
0x39: {  	v7 =	vsel vm10, $0x1050, v7;
	v8 =	vsel vm10, $0x1290, v8;
	v9 =	vsel vm10, $0x14D0, v9  }
0x3a: {  	v10 =	vsel vm10, $0x1730, v10;
	v11 =	vsel vm10, $0x1970, v11;
	v12 =	vsel vm10, $0x1BB0, v12  }
0x3b: {  	v13 =	vsel vm10, $0x1E10, v13;
	v14 =	vsel vm10, $0x2050, v14;
	v15 =	vsel vm10, $0x2290, v15  }
0x3c: {  	v16 =	vsel vm10, $0x24D0, v16;
	v17 =	vsel vm10, $0x2730, v17;
	v18 =	vsel vm10, $0x2970, v18  }
0x3d: {  	v19 =	vsel vm10, $0x2BB0, v19;
	v20 =	vsel vm10, $0x2E10, v20;
	v21 =	vsel vm10, $0x3050, v21  }
0x3e: {  	v22 =	vsel vm10, $0x3290, v22;
	v23 =	vsel vm10, $0x34D0, v23;
	v24 =	vsel vm10, $0x3730, v24  }
0x3f: {  	v25 =	vsel vm10, $0x3970, v25;
	v26 =	vsel vm10, $0x3BB0, v26;
	v27 =	vsel vm10, $0x3E10, v27  }
0x40: {  	v28 =	vsel vm10, $0x4050, v28;
	v29 =	vsel vm10, $0x4290, v29;
	v30 =	vsel vm10, $0x44D0, v30  }
0x41: {  	v31 =	vsel vm10, $0x4730, v31;
	v32 =	vsel vm10, $0x4970, v32;
	v33 =	vsel vm10, $0x4BB0, v33  }
0x42: {  	v34 =	vsel vm10, $0x4E10, v34;
	v35 =	vsel vm10, $0x5050, v35;
	v36 =	vsel vm10, $0x5290, v36  }
0x43: {  	v37 =	vsel vm10, $0x54D0, v37;
	v38 =	vsel vm10, $0x5730, v38;
	v39 =	vsel vm10, $0x5970, v39  }
0x44: {  	v40 =	vsel vm10, $0x5BB0, v40;
	v41 =	vsel vm10, $0x5E10, v41;
	v42 =	vsel vm10, $0x6050, v42  }
0x45: {  	v43 =	vsel vm10, $0x6290, v43;
	v44 =	vsel vm10, $0x64D0, v44;
	v45 =	vsel vm10, $0x6730, v45  }
0x46: {  	v46 =	vsel vm10, $0x6970, v46;
	v47 =	vsel vm10, $0x6BB0, v47;
	v48 =	vsel vm10, $0x6E10, v48  }
0x47: {  	v0 =	vnsel vm0, $0x230, v0;
	vm0 =	vcmask $0x3734;
	v2 =	vsel vm11, $0x510, v2  }
0x48: {  	v3 =	vsel vm11, $0x750, v3;
	v4 =	vsel vm11, $0x990, v4;
	v5 =	vsel vm11, $0xBD0, v5  }
0x49: {  	v6 =	vsel vm11, $0xE30, v6;
	v7 =	vsel vm11, $0x1070, v7;
	v8 =	vsel vm11, $0x12B0, v8  }
0x4a: {  	v9 =	vsel vm11, $0x1510, v9;
	v10 =	vsel vm11, $0x1750, v10;
	v11 =	vsel vm11, $0x1990, v11  }
0x4b: {  	v12 =	vsel vm11, $0x1BD0, v12;
	v13 =	vsel vm11, $0x1E30, v13;
	v14 =	vsel vm11, $0x2070, v14  }
0x4c: {  	v15 =	vsel vm11, $0x22B0, v15;
	v16 =	vsel vm11, $0x2510, v16;
	v17 =	vsel vm11, $0x2750, v17  }
0x4d: {  	v18 =	vsel vm11, $0x2990, v18;
	v19 =	vsel vm11, $0x2BD0, v19;
	v20 =	vsel vm11, $0x2E30, v20  }
0x4e: {  	v21 =	vsel vm11, $0x3070, v21;
	v22 =	vsel vm11, $0x32B0, v22;
	v23 =	vsel vm11, $0x3510, v23  }
0x4f: {  	v24 =	vsel vm11, $0x3750, v24;
	v25 =	vsel vm11, $0x3990, v25;
	v26 =	vsel vm11, $0x3BD0, v26  }
0x50: {  	v27 =	vsel vm11, $0x3E30, v27;
	v28 =	vsel vm11, $0x4070, v28;
	v29 =	vsel vm11, $0x42B0, v29  }
0x51: {  	v30 =	vsel vm11, $0x4510, v30;
	v31 =	vsel vm11, $0x4750, v31;
	v32 =	vsel vm11, $0x4990, v32  }
0x52: {  	v33 =	vsel vm11, $0x4BD0, v33;
	v34 =	vsel vm11, $0x4E30, v34;
	v35 =	vsel vm11, $0x5070, v35  }
0x53: {  	v36 =	vsel vm11, $0x52B0, v36;
	v37 =	vsel vm11, $0x5510, v37;
	v38 =	vsel vm11, $0x5750, v38  }
0x54: {  	v39 =	vsel vm11, $0x5990, v39;
	v40 =	vsel vm11, $0x5BD0, v40;
	v41 =	vsel vm11, $0x5E30, v41  }
0x55: {  	v42 =	vsel vm11, $0x6070, v42;
	v43 =	vsel vm11, $0x62B0, v43;
	v44 =	vsel vm11, $0x6510, v44  }
0x56: {  	v45 =	vsel vm11, $0x6750, v45;
	v46 =	vsel vm11, $0x6990, v46;
	v47 =	vsel vm11, $0x6BD0, v47  }
0x57: {  	v48 =	vsel vm11, $0x6E30, v48;
	v0 =	vsel vm15, v1, v0;
	v1 =	vimm.s32 $0x470  }
0x58: {  	v2 =	vsel vm12, $0x530, v2;
	v3 =	vsel vm12, $0x770, v3;
	v4 =	vsel vm12, $0x9B0, v4  }
0x59: {  	v5 =	vsel vm12, $0xC10, v5;
	v6 =	vsel vm12, $0xE50, v6;
	v7 =	vsel vm12, $0x1090, v7  }
0x5a: {  	v8 =	vsel vm12, $0x12D0, v8;
	v9 =	vsel vm12, $0x1530, v9;
	v10 =	vsel vm12, $0x1770, v10  }
0x5b: {  	v11 =	vsel vm12, $0x19B0, v11;
	v12 =	vsel vm12, $0x1C10, v12;
	v13 =	vsel vm12, $0x1E50, v13  }
0x5c: {  	v14 =	vsel vm12, $0x2090, v14;
	v15 =	vsel vm12, $0x22D0, v15;
	v16 =	vsel vm12, $0x2530, v16  }
0x5d: {  	v17 =	vsel vm12, $0x2770, v17;
	v18 =	vsel vm12, $0x29B0, v18;
	v19 =	vsel vm12, $0x2C10, v19  }
0x5e: {  	v20 =	vsel vm12, $0x2E50, v20;
	v21 =	vsel vm12, $0x3090, v21;
	v22 =	vsel vm12, $0x32D0, v22  }
0x5f: {  	v23 =	vsel vm12, $0x3530, v23;
	v24 =	vsel vm12, $0x3770, v24;
	v25 =	vsel vm12, $0x39B0, v25  }
0x60: {  	v26 =	vsel vm12, $0x3C10, v26;
	v27 =	vsel vm12, $0x3E50, v27;
	v28 =	vsel vm12, $0x4090, v28  }
0x61: {  	v29 =	vsel vm12, $0x42D0, v29;
	v30 =	vsel vm12, $0x4530, v30;
	v31 =	vsel vm12, $0x4770, v31  }
0x62: {  	v32 =	vsel vm12, $0x49B0, v32;
	v33 =	vsel vm12, $0x4C10, v33;
	v34 =	vsel vm12, $0x4E50, v34  }
0x63: {  	v35 =	vsel vm12, $0x5090, v35;
	v36 =	vsel vm12, $0x52D0, v36;
	v37 =	vsel vm12, $0x5530, v37  }
0x64: {  	v38 =	vsel vm12, $0x5770, v38;
	v39 =	vsel vm12, $0x59B0, v39;
	v40 =	vsel vm12, $0x5C10, v40  }
0x65: {  	v41 =	vsel vm12, $0x5E50, v41;
	v42 =	vsel vm12, $0x6090, v42;
	v43 =	vsel vm12, $0x62D0, v43  }
0x66: {  	v44 =	vsel vm12, $0x6530, v44;
	v45 =	vsel vm12, $0x6770, v45;
	v46 =	vsel vm12, $0x69B0, v46  }
0x67: {  	v47 =	vsel vm12, $0x6C10, v47;
	v48 =	vsel vm12, $0x6E50, v48;
	v0 =	vsel vm7, $0x110, v0  }
0x68: {  	v1 =	vsel vm8, $0x250, v1;
	v2 =	vsel vm13, $0x550, v2;
	v3 =	vsel vm13, $0x790, v3  }
0x69: {  	v4 =	vsel vm13, $0x9D0, v4;
	v5 =	vsel vm13, $0xC30, v5;
	v6 =	vsel vm13, $0xE70, v6  }
0x6a: {  	v7 =	vsel vm13, $0x10B0, v7;
	v8 =	vsel vm13, $0x1310, v8;
	v9 =	vsel vm13, $0x1550, v9  }
0x6b: {  	v10 =	vsel vm13, $0x1790, v10;
	v11 =	vsel vm13, $0x19D0, v11;
	v12 =	vsel vm13, $0x1C30, v12  }
0x6c: {  	v13 =	vsel vm13, $0x1E70, v13;
	v14 =	vsel vm13, $0x20B0, v14;
	v15 =	vsel vm13, $0x2310, v15  }
0x6d: {  	v16 =	vsel vm13, $0x2550, v16;
	v17 =	vsel vm13, $0x2790, v17;
	v18 =	vsel vm13, $0x29D0, v18  }
0x6e: {  	v19 =	vsel vm13, $0x2C30, v19;
	v20 =	vsel vm13, $0x2E70, v20;
	v21 =	vsel vm13, $0x30B0, v21  }
0x6f: {  	v22 =	vsel vm13, $0x3310, v22;
	v23 =	vsel vm13, $0x3550, v23;
	v24 =	vsel vm13, $0x3790, v24  }
0x70: {  	v25 =	vsel vm13, $0x39D0, v25;
	v26 =	vsel vm13, $0x3C30, v26;
	v27 =	vsel vm13, $0x3E70, v27  }
0x71: {  	v28 =	vsel vm13, $0x40B0, v28;
	v29 =	vsel vm13, $0x4310, v29;
	v30 =	vsel vm13, $0x4550, v30  }
0x72: {  	v31 =	vsel vm13, $0x4790, v31;
	v32 =	vsel vm13, $0x49D0, v32;
	v33 =	vsel vm13, $0x4C30, v33  }
0x73: {  	v34 =	vsel vm13, $0x4E70, v34;
	v35 =	vsel vm13, $0x50B0, v35;
	v36 =	vsel vm13, $0x5310, v36  }
0x74: {  	v37 =	vsel vm13, $0x5550, v37;
	v38 =	vsel vm13, $0x5790, v38;
	v39 =	vsel vm13, $0x59D0, v39  }
0x75: {  	v40 =	vsel vm13, $0x5C30, v40;
	v41 =	vsel vm13, $0x5E70, v41;
	v42 =	vsel vm13, $0x60B0, v42  }
0x76: {  	v43 =	vsel vm13, $0x6310, v43;
	v44 =	vsel vm13, $0x6550, v44;
	v45 =	vsel vm13, $0x6790, v45  }
0x77: {  	v46 =	vsel vm13, $0x69D0, v46;
	v47 =	vsel vm13, $0x6C30, v47;
	v48 =	vsel vm13, $0x6E70, v48  }
0x78: {  	v0 =	vsel vm6, $0x130, v0;
	v1 =	vsel vm9, $0x270, v1;
	v2 =	vsel vm14, $0x570, v2  }
0x79: {  	v3 =	vsel vm14, $0x7B0, v3;
	v4 =	vsel vm14, $0xA10, v4;
	v5 =	vsel vm14, $0xC50, v5  }
0x7a: {  	v6 =	vsel vm14, $0xE90, v6;
	v7 =	vsel vm14, $0x10D0, v7;
	v8 =	vsel vm14, $0x1330, v8  }
0x7b: {  	v9 =	vsel vm14, $0x1570, v9;
	v10 =	vsel vm14, $0x17B0, v10;
	v11 =	vsel vm14, $0x1A10, v11  }
0x7c: {  	v12 =	vsel vm14, $0x1C50, v12;
	v13 =	vsel vm14, $0x1E90, v13;
	v14 =	vsel vm14, $0x20D0, v14  }
0x7d: {  	v15 =	vsel vm14, $0x2330, v15;
	v16 =	vsel vm14, $0x2570, v16;
	v17 =	vsel vm14, $0x27B0, v17  }
0x7e: {  	v18 =	vsel vm14, $0x2A10, v18;
	v19 =	vsel vm14, $0x2C50, v19;
	v20 =	vsel vm14, $0x2E90, v20  }
0x7f: {  	v21 =	vsel vm14, $0x30D0, v21;
	v22 =	vsel vm14, $0x3330, v22;
	v23 =	vsel vm14, $0x3570, v23  }
0x80: {  	v24 =	vsel vm14, $0x37B0, v24;
	v25 =	vsel vm14, $0x3A10, v25;
	v26 =	vsel vm14, $0x3C50, v26  }
0x81: {  	v27 =	vsel vm14, $0x3E90, v27;
	v28 =	vsel vm14, $0x40D0, v28;
	v29 =	vsel vm14, $0x4330, v29  }
0x82: {  	v30 =	vsel vm14, $0x4570, v30;
	v31 =	vsel vm14, $0x47B0, v31;
	v32 =	vsel vm14, $0x4A10, v32  }
0x83: {  	v33 =	vsel vm14, $0x4C50, v33;
	v34 =	vsel vm14, $0x4E90, v34;
	v35 =	vsel vm14, $0x50D0, v35  }
0x84: {  	v36 =	vsel vm14, $0x5330, v36;
	v37 =	vsel vm14, $0x5570, v37;
	v38 =	vsel vm14, $0x57B0, v38  }
0x85: {  	v39 =	vsel vm14, $0x5A10, v39;
	v40 =	vsel vm14, $0x5C50, v40;
	v41 =	vsel vm14, $0x5E90, v41  }
0x86: {  	v42 =	vsel vm14, $0x60D0, v42;
	v43 =	vsel vm14, $0x6330, v43;
	v44 =	vsel vm14, $0x6570, v44  }
0x87: {  	v45 =	vsel vm14, $0x67B0, v45;
	v46 =	vsel vm14, $0x6A10, v46;
	v47 =	vsel vm14, $0x6C50, v47  }
0x88: {  	v48 =	vsel vm14, $0x6E90, v48;
	v0 =	vsel vm5, $0x150, v0;
	v1 =	vsel vm10, $0x290, v1  }
0x89: {  	v2 =	vsel vm7, $0x590, v2;
	v3 =	vsel vm7, $0x7D0, v3;
	v4 =	vsel vm7, $0xA30, v4  }
0x8a: {  	v5 =	vsel vm7, $0xC70, v5;
	v6 =	vsel vm7, $0xEB0, v6;
	v7 =	vsel vm7, $0x1110, v7  }
0x8b: {  	v8 =	vsel vm7, $0x1350, v8;
	v9 =	vsel vm7, $0x1590, v9;
	v10 =	vsel vm7, $0x17D0, v10  }
0x8c: {  	v11 =	vsel vm7, $0x1A30, v11;
	v12 =	vsel vm7, $0x1C70, v12;
	v13 =	vsel vm7, $0x1EB0, v13  }
0x8d: {  	v14 =	vsel vm7, $0x2110, v14;
	v15 =	vsel vm7, $0x2350, v15;
	v16 =	vsel vm7, $0x2590, v16  }
0x8e: {  	v17 =	vsel vm7, $0x27D0, v17;
	v18 =	vsel vm7, $0x2A30, v18;
	v19 =	vsel vm7, $0x2C70, v19  }
0x8f: {  	v20 =	vsel vm7, $0x2EB0, v20;
	v21 =	vsel vm7, $0x3110, v21;
	v22 =	vsel vm7, $0x3350, v22  }
0x90: {  	v23 =	vsel vm7, $0x3590, v23;
	v24 =	vsel vm7, $0x37D0, v24;
	v25 =	vsel vm7, $0x3A30, v25  }
0x91: {  	v26 =	vsel vm7, $0x3C70, v26;
	v27 =	vsel vm7, $0x3EB0, v27;
	v28 =	vsel vm7, $0x4110, v28  }
0x92: {  	v29 =	vsel vm7, $0x4350, v29;
	v30 =	vsel vm7, $0x4590, v30;
	v31 =	vsel vm7, $0x47D0, v31  }
0x93: {  	v32 =	vsel vm7, $0x4A30, v32;
	v33 =	vsel vm7, $0x4C70, v33;
	v34 =	vsel vm7, $0x4EB0, v34  }
0x94: {  	v35 =	vsel vm7, $0x5110, v35;
	v36 =	vsel vm7, $0x5350, v36;
	v37 =	vsel vm7, $0x5590, v37  }
0x95: {  	v38 =	vsel vm7, $0x57D0, v38;
	v39 =	vsel vm7, $0x5A30, v39;
	v40 =	vsel vm7, $0x5C70, v40  }
0x96: {  	v41 =	vsel vm7, $0x5EB0, v41;
	v42 =	vsel vm7, $0x6110, v42;
	v43 =	vsel vm7, $0x6350, v43  }
0x97: {  	v44 =	vsel vm7, $0x6590, v44;
	v45 =	vsel vm7, $0x67D0, v45;
	v46 =	vsel vm7, $0x6A30, v46  }
0x98: {  	v47 =	vsel vm7, $0x6C70, v47;
	v48 =	vsel vm7, $0x6EB0, v48;
	v0 =	vsel vm4, $0x170, v0  }
0x99: {  	v1 =	vsel vm11, $0x2B0, v1;
	v2 =	vsel vm6, $0x5B0, v2;
	v3 =	vsel vm6, $0x810, v3  }
0x9a: {  	v4 =	vsel vm6, $0xA50, v4;
	v5 =	vsel vm6, $0xC90, v5;
	v6 =	vsel vm6, $0xED0, v6  }
0x9b: {  	v7 =	vsel vm6, $0x1130, v7;
	v8 =	vsel vm6, $0x1370, v8;
	v9 =	vsel vm6, $0x15B0, v9  }
0x9c: {  	v10 =	vsel vm6, $0x1810, v10;
	v11 =	vsel vm6, $0x1A50, v11;
	v12 =	vsel vm6, $0x1C90, v12  }
0x9d: {  	v13 =	vsel vm6, $0x1ED0, v13;
	v14 =	vsel vm6, $0x2130, v14;
	v15 =	vsel vm6, $0x2370, v15  }
0x9e: {  	v16 =	vsel vm6, $0x25B0, v16;
	v17 =	vsel vm6, $0x2810, v17;
	v18 =	vsel vm6, $0x2A50, v18  }
0x9f: {  	v19 =	vsel vm6, $0x2C90, v19;
	v20 =	vsel vm6, $0x2ED0, v20;
	v21 =	vsel vm6, $0x3130, v21  }
0xa0: {  	v22 =	vsel vm6, $0x3370, v22;
	v23 =	vsel vm6, $0x35B0, v23;
	v24 =	vsel vm6, $0x3810, v24  }
0xa1: {  	v25 =	vsel vm6, $0x3A50, v25;
	v26 =	vsel vm6, $0x3C90, v26;
	v27 =	vsel vm6, $0x3ED0, v27  }
0xa2: {  	v28 =	vsel vm6, $0x4130, v28;
	v29 =	vsel vm6, $0x4370, v29;
	v30 =	vsel vm6, $0x45B0, v30  }
0xa3: {  	v31 =	vsel vm6, $0x4810, v31;
	v32 =	vsel vm6, $0x4A50, v32;
	v33 =	vsel vm6, $0x4C90, v33  }
0xa4: {  	v34 =	vsel vm6, $0x4ED0, v34;
	v35 =	vsel vm6, $0x5130, v35;
	v36 =	vsel vm6, $0x5370, v36  }
0xa5: {  	v37 =	vsel vm6, $0x55B0, v37;
	v38 =	vsel vm6, $0x5810, v38;
	v39 =	vsel vm6, $0x5A50, v39  }
0xa6: {  	v40 =	vsel vm6, $0x5C90, v40;
	v41 =	vsel vm6, $0x5ED0, v41;
	v42 =	vsel vm6, $0x6130, v42  }
0xa7: {  	v43 =	vsel vm6, $0x6370, v43;
	v44 =	vsel vm6, $0x65B0, v44;
	v45 =	vsel vm6, $0x6810, v45  }
0xa8: {  	v46 =	vsel vm6, $0x6A50, v46;
	v47 =	vsel vm6, $0x6C90, v47;
	v48 =	vsel vm6, $0x6ED0, v48  }
0xa9: {  	v0 =	vsel vm3, $0x190, v0;
	v1 =	vsel vm12, $0x2D0, v1;
	v2 =	vsel vm5, $0x5D0, v2  }
0xaa: {  	v3 =	vsel vm5, $0x830, v3;
	v4 =	vsel vm5, $0xA70, v4;
	v5 =	vsel vm5, $0xCB0, v5  }
0xab: {  	v6 =	vsel vm5, $0xF10, v6;
	v7 =	vsel vm5, $0x1150, v7;
	v8 =	vsel vm5, $0x1390, v8  }
0xac: {  	v9 =	vsel vm5, $0x15D0, v9;
	v10 =	vsel vm5, $0x1830, v10;
	v11 =	vsel vm5, $0x1A70, v11  }
0xad: {  	v12 =	vsel vm5, $0x1CB0, v12;
	v13 =	vsel vm5, $0x1F10, v13;
	v14 =	vsel vm5, $0x2150, v14  }
0xae: {  	v15 =	vsel vm5, $0x2390, v15;
	v16 =	vsel vm5, $0x25D0, v16;
	v17 =	vsel vm5, $0x2830, v17  }
0xaf: {  	v18 =	vsel vm5, $0x2A70, v18;
	v19 =	vsel vm5, $0x2CB0, v19;
	v20 =	vsel vm5, $0x2F10, v20  }
0xb0: {  	v21 =	vsel vm5, $0x3150, v21;
	v22 =	vsel vm5, $0x3390, v22;
	v23 =	vsel vm5, $0x35D0, v23  }
0xb1: {  	v24 =	vsel vm5, $0x3830, v24;
	v25 =	vsel vm5, $0x3A70, v25;
	v26 =	vsel vm5, $0x3CB0, v26  }
0xb2: {  	v27 =	vsel vm5, $0x3F10, v27;
	v28 =	vsel vm5, $0x4150, v28;
	v29 =	vsel vm5, $0x4390, v29  }
0xb3: {  	v30 =	vsel vm5, $0x45D0, v30;
	v31 =	vsel vm5, $0x4830, v31;
	v32 =	vsel vm5, $0x4A70, v32  }
0xb4: {  	v33 =	vsel vm5, $0x4CB0, v33;
	v34 =	vsel vm5, $0x4F10, v34;
	v35 =	vsel vm5, $0x5150, v35  }
0xb5: {  	v36 =	vsel vm5, $0x5390, v36;
	v37 =	vsel vm5, $0x55D0, v37;
	v38 =	vsel vm5, $0x5830, v38  }
0xb6: {  	v39 =	vsel vm5, $0x5A70, v39;
	v40 =	vsel vm5, $0x5CB0, v40;
	v41 =	vsel vm5, $0x5F10, v41  }
0xb7: {  	v42 =	vsel vm5, $0x6150, v42;
	v43 =	vsel vm5, $0x6390, v43;
	v44 =	vsel vm5, $0x65D0, v44  }
0xb8: {  	v45 =	vsel vm5, $0x6830, v45;
	v46 =	vsel vm5, $0x6A70, v46;
	v47 =	vsel vm5, $0x6CB0, v47  }
0xb9: {  	v48 =	vsel vm5, $0x6F10, v48;
	v0 =	vsel vm2, $0x1B0, v0;
	v1 =	vsel vm13, $0x310, v1  }
0xba: {  	v2 =	vsel vm4, $0x610, v2;
	v3 =	vsel vm4, $0x850, v3;
	v4 =	vsel vm4, $0xA90, v4  }
0xbb: {  	v5 =	vsel vm4, $0xCD0, v5;
	v6 =	vsel vm4, $0xF30, v6;
	v7 =	vsel vm4, $0x1170, v7  }
0xbc: {  	v8 =	vsel vm4, $0x13B0, v8;
	v9 =	vsel vm4, $0x1610, v9;
	v10 =	vsel vm4, $0x1850, v10  }
0xbd: {  	v11 =	vsel vm4, $0x1A90, v11;
	v12 =	vsel vm4, $0x1CD0, v12;
	v13 =	vsel vm4, $0x1F30, v13  }
0xbe: {  	v14 =	vsel vm4, $0x2170, v14;
	v15 =	vsel vm4, $0x23B0, v15;
	v16 =	vsel vm4, $0x2610, v16  }
0xbf: {  	v17 =	vsel vm4, $0x2850, v17;
	v18 =	vsel vm4, $0x2A90, v18;
	v19 =	vsel vm4, $0x2CD0, v19  }
0xc0: {  	v20 =	vsel vm4, $0x2F30, v20;
	v21 =	vsel vm4, $0x3170, v21;
	v22 =	vsel vm4, $0x33B0, v22  }
0xc1: {  	v23 =	vsel vm4, $0x3610, v23;
	v24 =	vsel vm4, $0x3850, v24;
	v25 =	vsel vm4, $0x3A90, v25  }
0xc2: {  	v26 =	vsel vm4, $0x3CD0, v26;
	v27 =	vsel vm4, $0x3F30, v27;
	v28 =	vsel vm4, $0x4170, v28  }
0xc3: {  	v29 =	vsel vm4, $0x43B0, v29;
	v30 =	vsel vm4, $0x4610, v30;
	v31 =	vsel vm4, $0x4850, v31  }
0xc4: {  	v32 =	vsel vm4, $0x4A90, v32;
	v33 =	vsel vm4, $0x4CD0, v33;
	v34 =	vsel vm4, $0x4F30, v34  }
0xc5: {  	v35 =	vsel vm4, $0x5170, v35;
	v36 =	vsel vm4, $0x53B0, v36;
	v37 =	vsel vm4, $0x5610, v37  }
0xc6: {  	v38 =	vsel vm4, $0x5850, v38;
	v39 =	vsel vm4, $0x5A90, v39;
	v40 =	vsel vm4, $0x5CD0, v40  }
0xc7: {  	v41 =	vsel vm4, $0x5F30, v41;
	v42 =	vsel vm4, $0x6170, v42;
	v43 =	vsel vm4, $0x63B0, v43  }
0xc8: {  	v44 =	vsel vm4, $0x6610, v44;
	v45 =	vsel vm4, $0x6850, v45;
	v46 =	vsel vm4, $0x6A90, v46  }
0xc9: {  	v47 =	vsel vm4, $0x6CD0, v47;
	v48 =	vsel vm4, $0x6F30, v48;
	v0 =	vsel vm0, $0x1D0, v0  }
0xca: {  	v1 =	vsel vm14, $0x330, v1;
	v2 =	vsel vm3, $0x630, v2;
	v3 =	vsel vm3, $0x870, v3  }
0xcb: {  	v4 =	vsel vm3, $0xAB0, v4;
	v5 =	vsel vm3, $0xD10, v5;
	v6 =	vsel vm3, $0xF50, v6  }
0xcc: {  	v7 =	vsel vm3, $0x1190, v7;
	v8 =	vsel vm3, $0x13D0, v8;
	v9 =	vsel vm3, $0x1630, v9  }
0xcd: {  	v10 =	vsel vm3, $0x1870, v10;
	v11 =	vsel vm3, $0x1AB0, v11;
	v12 =	vsel vm3, $0x1D10, v12  }
0xce: {  	v13 =	vsel vm3, $0x1F50, v13;
	v14 =	vsel vm3, $0x2190, v14;
	v15 =	vsel vm3, $0x23D0, v15  }
0xcf: {  	v16 =	vsel vm3, $0x2630, v16;
	v17 =	vsel vm3, $0x2870, v17;
	v18 =	vsel vm3, $0x2AB0, v18  }
0xd0: {  	v19 =	vsel vm3, $0x2D10, v19;
	v20 =	vsel vm3, $0x2F50, v20;
	v21 =	vsel vm3, $0x3190, v21  }
0xd1: {  	v22 =	vsel vm3, $0x33D0, v22;
	v23 =	vsel vm3, $0x3630, v23;
	v24 =	vsel vm3, $0x3870, v24  }
0xd2: {  	v25 =	vsel vm3, $0x3AB0, v25;
	v26 =	vsel vm3, $0x3D10, v26;
	v27 =	vsel vm3, $0x3F50, v27  }
0xd3: {  	v28 =	vsel vm3, $0x4190, v28;
	v29 =	vsel vm3, $0x43D0, v29;
	v30 =	vsel vm3, $0x4630, v30  }
0xd4: {  	v31 =	vsel vm3, $0x4870, v31;
	v32 =	vsel vm3, $0x4AB0, v32;
	v33 =	vsel vm3, $0x4D10, v33  }
0xd5: {  	v34 =	vsel vm3, $0x4F50, v34;
	v35 =	vsel vm3, $0x5190, v35;
	v36 =	vsel vm3, $0x53D0, v36  }
0xd6: {  	v37 =	vsel vm3, $0x5630, v37;
	v38 =	vsel vm3, $0x5870, v38;
	v39 =	vsel vm3, $0x5AB0, v39  }
0xd7: {  	v40 =	vsel vm3, $0x5D10, v40;
	v41 =	vsel vm3, $0x5F50, v41;
	v42 =	vsel vm3, $0x6190, v42  }
0xd8: {  	v43 =	vsel vm3, $0x63D0, v43;
	v44 =	vsel vm3, $0x6630, v44;
	v45 =	vsel vm3, $0x6870, v45  }
0xd9: {  	v46 =	vsel vm3, $0x6AB0, v46;
	v47 =	vsel vm3, $0x6D10, v47;
	v48 =	vsel vm3, $0x6F50, v48  }
0xda: {  	v0 =	vsel vm1, $0x210, v0;
	v1 =	vsel vm7, $0x350, v1;
	v2 =	vsel vm2, $0x650, v2  }
0xdb: {  	v3 =	vsel vm2, $0x890, v3;
	v4 =	vsel vm2, $0xAD0, v4;
	v5 =	vsel vm2, $0xD30, v5  }
0xdc: {  	v6 =	vsel vm2, $0xF70, v6;
	v7 =	vsel vm2, $0x11B0, v7;
	v8 =	vsel vm2, $0x1410, v8  }
0xdd: {  	v9 =	vsel vm2, $0x1650, v9;
	v10 =	vsel vm2, $0x1890, v10;
	v11 =	vsel vm2, $0x1AD0, v11  }
0xde: {  	v12 =	vsel vm2, $0x1D30, v12;
	v13 =	vsel vm2, $0x1F70, v13;
	v14 =	vsel vm2, $0x21B0, v14  }
0xdf: {  	v15 =	vsel vm2, $0x2410, v15;
	v16 =	vsel vm2, $0x2650, v16;
	v17 =	vsel vm2, $0x2890, v17  }
0xe0: {  	v18 =	vsel vm2, $0x2AD0, v18;
	v19 =	vsel vm2, $0x2D30, v19;
	v20 =	vsel vm2, $0x2F70, v20  }
0xe1: {  	v21 =	vsel vm2, $0x31B0, v21;
	v22 =	vsel vm2, $0x3410, v22;
	v23 =	vsel vm2, $0x3650, v23  }
0xe2: {  	v24 =	vsel vm2, $0x3890, v24;
	v25 =	vsel vm2, $0x3AD0, v25;
	v26 =	vsel vm2, $0x3D30, v26  }
0xe3: {  	v27 =	vsel vm2, $0x3F70, v27;
	v28 =	vsel vm2, $0x41B0, v28;
	v29 =	vsel vm2, $0x4410, v29  }
0xe4: {  	v30 =	vsel vm2, $0x4650, v30;
	v31 =	vsel vm2, $0x4890, v31;
	v32 =	vsel vm2, $0x4AD0, v32  }
0xe5: {  	v33 =	vsel vm2, $0x4D30, v33;
	v34 =	vsel vm2, $0x4F70, v34;
	v35 =	vsel vm2, $0x51B0, v35  }
0xe6: {  	v36 =	vsel vm2, $0x5410, v36;
	v37 =	vsel vm2, $0x5650, v37;
	v38 =	vsel vm2, $0x5890, v38  }
0xe7: {  	v39 =	vsel vm2, $0x5AD0, v39;
	v40 =	vsel vm2, $0x5D30, v40;
	v41 =	vsel vm2, $0x5F70, v41  }
0xe8: {  	v42 =	vsel vm2, $0x61B0, v42;
	v43 =	vsel vm2, $0x6410, v43;
	v44 =	vsel vm2, $0x6650, v44  }
0xe9: {  	v45 =	vsel vm2, $0x6890, v45;
	v46 =	vsel vm2, $0x6AD0, v46;
	v47 =	vsel vm2, $0x6D30, v47  }
0xea: {  	v48 =	vsel vm2, $0x6F70, v48;
	v1 =	vsel vm6, $0x370, v1;
	v2 =	vsel vm0, $0x670, v2  }
0xeb: {  	v3 =	vsel vm0, $0x8B0, v3;
	v4 =	vsel vm0, $0xB10, v4;
	v5 =	vsel vm0, $0xD50, v5  }
0xec: {  	v6 =	vsel vm0, $0xF90, v6;
	v7 =	vsel vm0, $0x11D0, v7;
	v8 =	vsel vm0, $0x1430, v8  }
0xed: {  	v9 =	vsel vm0, $0x1670, v9;
	v10 =	vsel vm0, $0x18B0, v10;
	v11 =	vsel vm0, $0x1B10, v11  }
0xee: {  	v12 =	vsel vm0, $0x1D50, v12;
	v13 =	vsel vm0, $0x1F90, v13;
	v14 =	vsel vm0, $0x21D0, v14  }
0xef: {  	v15 =	vsel vm0, $0x2430, v15;
	v16 =	vsel vm0, $0x2670, v16;
	v17 =	vsel vm0, $0x28B0, v17  }
0xf0: {  	v18 =	vsel vm0, $0x2B10, v18;
	v19 =	vsel vm0, $0x2D50, v19;
	v20 =	vsel vm0, $0x2F90, v20  }
0xf1: {  	v21 =	vsel vm0, $0x31D0, v21;
	v22 =	vsel vm0, $0x3430, v22;
	v23 =	vsel vm0, $0x3670, v23  }
0xf2: {  	v24 =	vsel vm0, $0x38B0, v24;
	v25 =	vsel vm0, $0x3B10, v25;
	v26 =	vsel vm0, $0x3D50, v26  }
0xf3: {  	v27 =	vsel vm0, $0x3F90, v27;
	v28 =	vsel vm0, $0x41D0, v28;
	v29 =	vsel vm0, $0x4430, v29  }
0xf4: {  	v30 =	vsel vm0, $0x4670, v30;
	v31 =	vsel vm0, $0x48B0, v31;
	v32 =	vsel vm0, $0x4B10, v32  }
0xf5: {  	v33 =	vsel vm0, $0x4D50, v33;
	v34 =	vsel vm0, $0x4F90, v34;
	v35 =	vsel vm0, $0x51D0, v35  }
0xf6: {  	v36 =	vsel vm0, $0x5430, v36;
	v37 =	vsel vm0, $0x5670, v37;
	v38 =	vsel vm0, $0x58B0, v38  }
0xf7: {  	v39 =	vsel vm0, $0x5B10, v39;
	v40 =	vsel vm0, $0x5D50, v40;
	v41 =	vsel vm0, $0x5F90, v41  }
0xf8: {  	v42 =	vsel vm0, $0x61D0, v42;
	v43 =	vsel vm0, $0x6430, v43;
	v44 =	vsel vm0, $0x6670, v44  }
0xf9: {  	v45 =	vsel vm0, $0x68B0, v45;
	v46 =	vsel vm0, $0x6B10, v46;
	v47 =	vsel vm0, $0x6D50, v47  }
0xfa: {  	v48 =	vsel vm0, $0x6F90, v48;
	v1 =	vsel vm5, $0x390, v1;
	v2 =	vsel vm1, $0x690, v2  }
0xfb: {  	v3 =	vsel vm1, $0x8D0, v3;
	v4 =	vsel vm1, $0xB30, v4;
	v5 =	vsel vm1, $0xD70, v5  }
0xfc: {  	v6 =	vsel vm1, $0xFB0, v6;
	v7 =	vsel vm1, $0x1210, v7;
	v8 =	vsel vm1, $0x1450, v8  }
0xfd: {  	v9 =	vsel vm1, $0x1690, v9;
	v10 =	vsel vm1, $0x18D0, v10;
	v11 =	vsel vm1, $0x1B30, v11  }
0xfe: {  	v12 =	vsel vm1, $0x1D70, v12;
	v13 =	vsel vm1, $0x1FB0, v13;
	v14 =	vsel vm1, $0x2210, v14  }
0xff: {  	v15 =	vsel vm1, $0x2450, v15;
	v16 =	vsel vm1, $0x2690, v16;
	v17 =	vsel vm1, $0x28D0, v17  }
0x100: {  	v18 =	vsel vm1, $0x2B30, v18;
	v19 =	vsel vm1, $0x2D70, v19;
	v20 =	vsel vm1, $0x2FB0, v20  }
0x101: {  	v21 =	vsel vm1, $0x3210, v21;
	v22 =	vsel vm1, $0x3450, v22;
	v23 =	vsel vm1, $0x3690, v23  }
0x102: {  	v24 =	vsel vm1, $0x38D0, v24;
	v25 =	vsel vm1, $0x3B30, v25;
	v26 =	vsel vm1, $0x3D70, v26  }
0x103: {  	s3 =	rddreg [dreg:$0x0];
	s1 =	srdreg.scid;
	v27 =	vsel vm1, $0x3FB0, v27;
	v28 =	vsel vm1, $0x4210, v28;
	v29 =	vsel vm1, $0x4450, v29  }
0x104: {  	s0 =	stileid.u32;
	s4 =	rddreg [dreg:$0x1];
	s9 =	simm.s32 $0x7000;
	v30 =	vsel vm1, $0x4690, v30;
	v31 =	vsel vm1, $0x48D0, v31;
	v32 =	vsel vm1, $0x4B30, v32  }
0x105: {  	s10 =	simm.s32 $0x2;
	s5 =	sand.u32 $0x1, s1;
	s2 =	sshll.u32 s0, $0x1;
	v33 =	vsel vm1, $0x4D70, v33;
	v34 =	vsel vm1, $0x4FB0, v34;
	v35 =	vsel vm1, $0x5210, v35  }
0x106: {  	s11 =	simm.s32 $0x0;
	s1 =	rddreg [dreg:$0x2];
	s6 =	sor.u32 s5, s2;
	v36 =	vsel vm1, $0x5450, v36;
	v37 =	vsel vm1, $0x5690, v37;
	v38 =	vsel vm1, $0x58D0, v38  }
0x107: {  	s2 =	simm.s32 $0x0;
	s5 =	ssub.s32 $0x2, s5;
	s7 =	smul.u32 $0x1C000, s6;
	v39 =	vsel vm1, $0x5B30, v39;
	v40 =	vsel vm1, $0x5D70, v40;
	v1 =	vsel vm4, $0x3B0, v1  }
0x108: {  	[smem:$0x7FF] =	sst s2;
	s8 =	sshrl.u32 s5, $0x1;
	s6 =	smul.u32 $0x62, s6;
	v41 =	vsel vm1, $0x5FB0, v41;
	v42 =	vsel vm1, $0x6210, v42;
	v1 =	vsel vm3, $0x3D0, v1  }
0x109: {  	_ =	strace $0x80000047;
	s5 =	ssub.s32 s5, s8;
	s8 =	simm.s32 $0x1;
	v43 =	vsel vm1, $0x6450, v43;
	v44 =	vsel vm1, $0x6690, v44;
	v1 =	vsel vm2, $0x410, v1  }
0x10a: {  	s3 =	sadd.s32 s7, s3;
	s4 =	sadd.s32 s4, s6;
	s5 =	smax.u32 s5, $0x1;
	v45 =	vsel vm1, $0x68D0, v45;
	v46 =	vsel vm1, $0x6B30, v46;
	v1 =	vsel vm0, $0x430, v1  }
0x10b: {  	s6 =	simm.s32 $0x80;
	s7 =	simm.s32 $0x400;
	s3 =	sadd.s32 $0x200, s3;
	v47 =	vsel vm1, $0x6D70, v47;
	v48 =	vsel vm1, $0x6FB0, v48;
	v1 =	vsel vm1, $0x450, v1  }
.LBB2_1:
0x10c: {  	s12 =	simm.s32 $0x400;
	s13 =	sadd.s32 $0x0, s3;
	s14 =	simm.s32 $0x0  }
.LBB2_2:
0x10d: {  	[tilespmem:s14], [sflag:$0x1] =	stream.strided.gather [hbm4b:s13+s6], $0x100, s7, s6, $0x38;
	[tilespmem:$0x7380] =	vst v63  }
0x10e: {  	s14 =	smov.u32 s12;
	p0 =	sne.s32 s12, $0x1BC00  }
.Ltmp0:
0x10f: {  	s12 =	sadd.s32 $0x400, s12;
	(pc) =	sbr.rel @p0 .LBB2_2-.Ltmp0, $2  }
0x110: {  	_ =	sdelay $0x2  }
0x111: {  	s13 =	sadd.s32 s14, s3;
	s14 =	sshra.s32 s14, $0x2  }
0x112: {  	[tilespmem:s14], [sflag:$0x1] =	stream.strided.gather [hbm4b:s13+s6], $0x100, s7, s6, $0x38;
	[tilespmem:$0x7380] =	vst v63  }
0x113: {  	_ =	swait.ge [sflag:s8], $0x7000  }
0x114: {  	[sflag:s8] =	ssyncset.done $0x0  }
0x115: {  	[sflag:s8] =	ssyncadd.s32 $0xFFFF9000  }
0x116: {  	v49 =	vld.idx.msk [tilespmem:v0+s2+$0x0], $0xffff;
	_ =	sdelay $0x4  }
0x117: {  	[tilespmem:$0x7000] =	vst v49  }
0x118: {  	v49 =	vld.idx.msk [tilespmem:v1+s2+$0x0], $0xffff;
	_ =	sdelay $0x4  }
0x119: {  	[tilespmem:$0x7010] =	vst v49  }
0x11a: {  	v49 =	vld.idx.msk [tilespmem:v2+s2+$0x0], $0xffff;
	_ =	sdelay $0x4  }
0x11b: {  	[tilespmem:$0x7020] =	vst v49  }
0x11c: {  	v49 =	vld.idx.msk [tilespmem:v3+s2+$0x0], $0xffff;
	_ =	sdelay $0x4  }
0x11d: {  	[tilespmem:$0x7030] =	vst v49  }
0x11e: {  	v49 =	vld.idx.msk [tilespmem:v4+s2+$0x0], $0xffff;
	_ =	sdelay $0x4  }
0x11f: {  	[tilespmem:$0x7040] =	vst v49  }
0x120: {  	v49 =	vld.idx.msk [tilespmem:v5+s2+$0x0], $0xffff;
	_ =	sdelay $0x4  }
0x121: {  	[tilespmem:$0x7050] =	vst v49  }
0x122: {  	v49 =	vld.idx.msk [tilespmem:v6+s2+$0x0], $0xffff;
	_ =	sdelay $0x4  }
0x123: {  	[tilespmem:$0x7060] =	vst v49  }
0x124: {  	v49 =	vld.idx.msk [tilespmem:v7+s2+$0x0], $0xffff;
	_ =	sdelay $0x4  }
0x125: {  	[tilespmem:$0x7070] =	vst v49  }
0x126: {  	v49 =	vld.idx.msk [tilespmem:v8+s2+$0x0], $0xffff;
	_ =	sdelay $0x4  }
0x127: {  	[tilespmem:$0x7080] =	vst v49  }
0x128: {  	v49 =	vld.idx.msk [tilespmem:v9+s2+$0x0], $0xffff;
	_ =	sdelay $0x4  }
0x129: {  	[tilespmem:$0x7090] =	vst v49  }
0x12a: {  	v49 =	vld.idx.msk [tilespmem:v10+s2+$0x0], $0xffff;
	_ =	sdelay $0x4  }
0x12b: {  	[tilespmem:$0x70A0] =	vst v49  }
0x12c: {  	v49 =	vld.idx.msk [tilespmem:v11+s2+$0x0], $0xffff;
	_ =	sdelay $0x4  }
0x12d: {  	[tilespmem:$0x70B0] =	vst v49  }
0x12e: {  	v49 =	vld.idx.msk [tilespmem:v12+s2+$0x0], $0xffff;
	_ =	sdelay $0x4  }
0x12f: {  	[tilespmem:$0x70C0] =	vst v49  }
0x130: {  	v49 =	vld.idx.msk [tilespmem:v13+s2+$0x0], $0xffff;
	_ =	sdelay $0x4  }
0x131: {  	[tilespmem:$0x70D0] =	vst v49  }
0x132: {  	v49 =	vld.idx.msk [tilespmem:v14+s2+$0x0], $0xffff;
	_ =	sdelay $0x4  }
0x133: {  	[tilespmem:$0x70E0] =	vst v49  }
0x134: {  	v49 =	vld.idx.msk [tilespmem:v15+s2+$0x0], $0xffff;
	_ =	sdelay $0x4  }
0x135: {  	[tilespmem:$0x70F0] =	vst v49  }
0x136: {  	v49 =	vld.idx.msk [tilespmem:v16+s2+$0x0], $0xffff;
	_ =	sdelay $0x4  }
0x137: {  	[tilespmem:$0x7100] =	vst v49  }
0x138: {  	v49 =	vld.idx.msk [tilespmem:v17+s2+$0x0], $0xffff;
	_ =	sdelay $0x4  }
0x139: {  	[tilespmem:$0x7110] =	vst v49  }
0x13a: {  	v49 =	vld.idx.msk [tilespmem:v18+s2+$0x0], $0xffff;
	_ =	sdelay $0x4  }
0x13b: {  	[tilespmem:$0x7120] =	vst v49  }
0x13c: {  	v49 =	vld.idx.msk [tilespmem:v19+s2+$0x0], $0xffff;
	_ =	sdelay $0x4  }
0x13d: {  	[tilespmem:$0x7130] =	vst v49  }
0x13e: {  	v49 =	vld.idx.msk [tilespmem:v20+s2+$0x0], $0xffff;
	_ =	sdelay $0x4  }
0x13f: {  	[tilespmem:$0x7140] =	vst v49  }
0x140: {  	v49 =	vld.idx.msk [tilespmem:v21+s2+$0x0], $0xffff;
	_ =	sdelay $0x4  }
0x141: {  	[tilespmem:$0x7150] =	vst v49  }
0x142: {  	v49 =	vld.idx.msk [tilespmem:v22+s2+$0x0], $0xffff;
	_ =	sdelay $0x4  }
0x143: {  	[tilespmem:$0x7160] =	vst v49  }
0x144: {  	v49 =	vld.idx.msk [tilespmem:v23+s2+$0x0], $0xffff;
	_ =	sdelay $0x4  }
0x145: {  	[tilespmem:$0x7170] =	vst v49  }
0x146: {  	v49 =	vld.idx.msk [tilespmem:v24+s2+$0x0], $0xffff;
	_ =	sdelay $0x4  }
0x147: {  	[tilespmem:$0x7180] =	vst v49  }
0x148: {  	v49 =	vld.idx.msk [tilespmem:v25+s2+$0x0], $0xffff;
	_ =	sdelay $0x4  }
0x149: {  	[tilespmem:$0x7190] =	vst v49  }
0x14a: {  	v49 =	vld.idx.msk [tilespmem:v26+s2+$0x0], $0xffff;
	_ =	sdelay $0x4  }
0x14b: {  	[tilespmem:$0x71A0] =	vst v49  }
0x14c: {  	v49 =	vld.idx.msk [tilespmem:v27+s2+$0x0], $0xffff;
	_ =	sdelay $0x4  }
0x14d: {  	[tilespmem:$0x71B0] =	vst v49  }
0x14e: {  	v49 =	vld.idx.msk [tilespmem:v28+s2+$0x0], $0xffff;
	_ =	sdelay $0x4  }
0x14f: {  	[tilespmem:$0x71C0] =	vst v49  }
0x150: {  	v49 =	vld.idx.msk [tilespmem:v29+s2+$0x0], $0xffff;
	_ =	sdelay $0x4  }
0x151: {  	[tilespmem:$0x71D0] =	vst v49  }
0x152: {  	v49 =	vld.idx.msk [tilespmem:v30+s2+$0x0], $0xffff;
	_ =	sdelay $0x4  }
0x153: {  	[tilespmem:$0x71E0] =	vst v49  }
0x154: {  	v49 =	vld.idx.msk [tilespmem:v31+s2+$0x0], $0xffff;
	_ =	sdelay $0x4  }
0x155: {  	[tilespmem:$0x71F0] =	vst v49  }
0x156: {  	v49 =	vld.idx.msk [tilespmem:v32+s2+$0x0], $0xffff;
	_ =	sdelay $0x4  }
0x157: {  	[tilespmem:$0x7200] =	vst v49  }
0x158: {  	v49 =	vld.idx.msk [tilespmem:v33+s2+$0x0], $0xffff;
	_ =	sdelay $0x4  }
0x159: {  	[tilespmem:$0x7210] =	vst v49  }
0x15a: {  	v49 =	vld.idx.msk [tilespmem:v34+s2+$0x0], $0xffff;
	_ =	sdelay $0x4  }
0x15b: {  	[tilespmem:$0x7220] =	vst v49  }
0x15c: {  	v49 =	vld.idx.msk [tilespmem:v35+s2+$0x0], $0xffff;
	_ =	sdelay $0x4  }
0x15d: {  	[tilespmem:$0x7230] =	vst v49  }
0x15e: {  	v49 =	vld.idx.msk [tilespmem:v36+s2+$0x0], $0xffff;
	_ =	sdelay $0x4  }
0x15f: {  	[tilespmem:$0x7240] =	vst v49  }
0x160: {  	v49 =	vld.idx.msk [tilespmem:v37+s2+$0x0], $0xffff;
	_ =	sdelay $0x4  }
0x161: {  	[tilespmem:$0x7250] =	vst v49  }
0x162: {  	v49 =	vld.idx.msk [tilespmem:v38+s2+$0x0], $0xffff;
	_ =	sdelay $0x4  }
0x163: {  	[tilespmem:$0x7260] =	vst v49  }
0x164: {  	v49 =	vld.idx.msk [tilespmem:v39+s2+$0x0], $0xffff;
	_ =	sdelay $0x4  }
0x165: {  	[tilespmem:$0x7270] =	vst v49  }
0x166: {  	v49 =	vld.idx.msk [tilespmem:v40+s2+$0x0], $0xffff;
	_ =	sdelay $0x4  }
0x167: {  	[tilespmem:$0x7280] =	vst v49  }
0x168: {  	v49 =	vld.idx.msk [tilespmem:v41+s2+$0x0], $0xffff;
	_ =	sdelay $0x4  }
0x169: {  	[tilespmem:$0x7290] =	vst v49  }
0x16a: {  	v49 =	vld.idx.msk [tilespmem:v42+s2+$0x0], $0xffff;
	_ =	sdelay $0x4  }
0x16b: {  	[tilespmem:$0x72A0] =	vst v49  }
0x16c: {  	v49 =	vld.idx.msk [tilespmem:v43+s2+$0x0], $0xffff;
	_ =	sdelay $0x4  }
0x16d: {  	[tilespmem:$0x72B0] =	vst v49  }
0x16e: {  	v49 =	vld.idx.msk [tilespmem:v44+s2+$0x0], $0xffff;
	_ =	sdelay $0x4  }
0x16f: {  	[tilespmem:$0x72C0] =	vst v49  }
0x170: {  	v49 =	vld.idx.msk [tilespmem:v45+s2+$0x0], $0xffff;
	_ =	sdelay $0x4  }
0x171: {  	[tilespmem:$0x72D0] =	vst v49  }
0x172: {  	v49 =	vld.idx.msk [tilespmem:v46+s2+$0x0], $0xffff;
	_ =	sdelay $0x4  }
0x173: {  	[tilespmem:$0x72E0] =	vst v49  }
0x174: {  	v49 =	vld.idx.msk [tilespmem:v47+s2+$0x0], $0xffff;
	_ =	sdelay $0x4  }
0x175: {  	[tilespmem:$0x72F0] =	vst v49  }
0x176: {  	v49 =	vld.idx.msk [tilespmem:v48+s2+$0x0], $0xffff;
	_ =	sdelay $0x2  }
0x177: {  	s11 =	sadd.s32 $0x1, s11  }
0x178: {  	p0 =	sne.s32 s11, s5  }
.Ltmp1:
0x179: {  	[tilespmem:$0x7300] =	vst v49;
	(pc) =	sbr.rel @p0 .LBB2_1-.Ltmp1, $4  }
0x17a: {  	[hbm4b:s4+s2] =	stream.linear.scatter [tilespmem:s9], [sflag:$0x2], $0x310, $0x38;
	[tilespmem:$0x7380] =	vst v63  }
0x17b: {  	_ =	swait.ge [sflag:s10], $0x310  }
0x17c: {  	[sflag:s10] =	ssyncset.done $0x0  }
0x17d: {  	[sflag:s10] =	ssyncadd.s32 $0xFFFFFCF0  }
0x17e: {  	_ =	sfence.sel $0x180000  }
0x17f: {  	[bflag:$0x0] =	sbarrier.arrive $0xFFFF  }
0x180: {  	p0 =	sne.s32 s0, $0x0;
	_ =	strace $0x90000047  }
0x181: {  	s0 =	sadd.s32 @!p0 $0x100000, s1;
	[bflag:$0x2] =	sbarrier.arrive $0xFFFF  }
0x182: {  	[sflag:s0] =	ssyncadd.tile.s32 @!p0 $0x1;
	_ =	shalt  }
.Lfunc_end2:
_tile_overlayer_lowered:
.L_overlay_start_2:
0x183: {  	(tag) =	ssettag $0x2  }
0x184: {  	s0 =	rddreg [dreg:$0x0];
	s2 =	stileid.u32  }
0x185: {  	s1 =	rddreg [dreg:$0x1];
	p0 =	sne.s32 s2, $0x0  }
0x186: {  	s3 =	rddreg [dreg:$0x2];
	[bflag:$0x3] =	sbarrier.arrive $0xFFFF;
	s2 =	simm.s32 @!p0 $0x1C02  }
0x187: {  	[timem:s3], [sflag:s2] =	dma.local @!p0 [hbm:s0], s1  }
0x188: {  	s0 =	simm.s32 @!p0 $0x2  }
0x189: {  	_ =	swait.ge @!p0 [sflag:s0], s1  }
0x18a: {  	s1 =	ssub.s32 @!p0 $0x0, s1;
	[sflag:s0] =	ssyncset.done @!p0 $0x0  }
0x18b: {  	[sflag:s0] =	ssyncadd.s32 @!p0 s1  }
0x18c: {  	[bflag:$0x3] =	sbarrier.arrive $0xFFFF  }
0x18d: {  	_ =	shalt  }

</sc_bundles>
